<compile_context>
chip_gen: v7x
topology: tpu7x:2x2x1
jax: 0.10.2.dev20260603
libtpu: 0.0.44.dev20260713+nightly
codegen_flags: <defaults>
</compile_context>

<pallas_src>
import functools

import jax
import jax.numpy as jnp
from jax import lax
from jax.experimental import pallas as pl
from jax.experimental.pallas import tpu as pltpu
from jax.experimental.pallas import tpu_sc as plsc

_B = 4
_S = 4096
_D = 2048
_E = 8
_H = 64

_SCHUNK = 1024
_NSTEPS = (_B * _S) // _SCHUNK
_RPB = _S // _SCHUNK
_ACHUNK = 256
_ANSTEPS = _S // _ACHUNK

_NWORKERS = 32
_DCHUNKS = _NWORKERS // _B
_DCHUNK = _D // _DCHUNKS


def _router_body(x_ref, w1_ref, b1_ref, w2_ref, b2_ref, scale_ref,
                 w_ref, acc_ref):
    step = pl.program_id(0)
    b = step // _RPB

    @pl.when(step == 0)
    def _():
        acc_ref[...] = jnp.zeros_like(acc_ref)

    acc_ref[pl.ds(b, 1), :] += jnp.sum(x_ref[...], axis=0, keepdims=True)

    @pl.when(step == _NSTEPS - 1)
    def _():
        mean = acc_ref[...] * (1.0 / _S)
        h = jax.lax.dot_general(
            mean, w1_ref[...], (((1,), (0,)), ((), ())),
            preferred_element_type=jnp.float32)
        h = jnp.maximum(h + b1_ref[...], 0.0)
        logits = jax.lax.dot_general(
            h, w2_ref[...], (((1,), (0,)), ((), ())),
            preferred_element_type=jnp.float32) + b2_ref[...]
        neg = jnp.full((_B, 16 - _E), -jnp.inf, jnp.float32)
        l16 = jnp.concatenate([logits, neg], axis=1)
        idx = lax.broadcasted_iota(jnp.int32, (_B, 16), 1)
        v1 = jnp.max(l16, axis=1, keepdims=True)
        i1 = jnp.min(jnp.where(l16 == v1, idx, 16), axis=1, keepdims=True)
        l2 = jnp.where(idx == i1, -jnp.inf, l16)
        v2 = jnp.max(l2, axis=1, keepdims=True)
        i2 = jnp.min(jnp.where(l2 == v2, idx, 16), axis=1, keepdims=True)
        top2 = (idx == i1) | (idx == i2)
        ex = jnp.where(top2, jnp.exp(l16 - v1), 0.0)
        w = ex / jnp.sum(ex, axis=1, keepdims=True)
        w_ref[...] = w * scale_ref[0, 0]


def _router_pass(x, w1, b1, w2, b2, scale):
    return pl.pallas_call(
        _router_body,
        grid=(_NSTEPS,),
        in_specs=[
            pl.BlockSpec((_SCHUNK, _D), lambda s: (s, 0)),
            pl.BlockSpec((_D, _H), lambda s: (0, 0)),
            pl.BlockSpec((1, _H), lambda s: (0, 0)),
            pl.BlockSpec((_H, _E), lambda s: (0, 0)),
            pl.BlockSpec((1, _E), lambda s: (0, 0)),
            pl.BlockSpec((1, 1), lambda s: (0, 0)),
        ],
        out_specs=pl.BlockSpec((_B, 16), lambda s: (0, 0)),
        out_shape=jax.ShapeDtypeStruct((_B, 16), jnp.float32),
        scratch_shapes=[pltpu.VMEM((_B, _D), jnp.float32)],
        compiler_params=pltpu.CompilerParams(
            dimension_semantics=("arbitrary",)),
    )(x, w1, b1, w2, b2, scale)


def _combine_body(w_hbm, eb_hbm, out_hbm, wv, ebc, outc):
    wid = lax.axis_index("s") * 2 + lax.axis_index("c")
    b = wid // _DCHUNKS
    c = wid % _DCHUNKS
    pltpu.sync_copy(w_hbm.at[b], wv)
    pltpu.sync_copy(eb_hbm.at[:, pl.ds(c * _DCHUNK, _DCHUNK)], ebc)
    w_all = wv[...]
    for i in range(_DCHUNK // 16):
        acc = jnp.zeros((16,), jnp.float32)
        for e in range(_E):
            acc = acc + w_all[e] * ebc[e, pl.ds(i * 16, 16)]
        outc[pl.ds(i * 16, 16)] = acc
    pltpu.sync_copy(outc, out_hbm.at[b, pl.ds(c * _DCHUNK, _DCHUNK)])


@functools.cache
def _combine_pass():
    return pl.kernel(
        _combine_body,
        out_type=jax.ShapeDtypeStruct((_B, _D), jnp.float32),
        mesh=plsc.VectorSubcoreMesh(core_axis_name="c", subcore_axis_name="s"),
        scratch_types=[
            pltpu.VMEM((16,), jnp.float32),
            pltpu.VMEM((_E, _DCHUNK), jnp.float32),
            pltpu.VMEM((_DCHUNK,), jnp.float32),
        ],
    )


def _apply_body(x_ref, comb_ref, out_ref):
    out_ref[...] = x_ref[...] + comb_ref[...][:, None, :]


def _apply_pass(x, comb):
    return pl.pallas_call(
        _apply_body,
        grid=(_ANSTEPS,),
        in_specs=[
            pl.BlockSpec((_B, _ACHUNK, _D), lambda s: (0, s, 0)),
            pl.BlockSpec((_B, _D), lambda s: (0, 0)),
        ],
        out_specs=pl.BlockSpec((_B, _ACHUNK, _D), lambda s: (0, s, 0)),
        out_shape=jax.ShapeDtypeStruct((_B, _S, _D), jnp.float32),
        compiler_params=pltpu.CompilerParams(
            dimension_semantics=("parallel",)),
    )(x, comb)


def kernel(x, W1, b1, W2, b2, expert_biases, bias_scale):
    x2 = x.reshape(_B * _S, _D)
    w_scaled = _router_pass(
        x2, W1, b1.reshape(1, _H), W2, b2.reshape(1, _E),
        bias_scale.reshape(1, 1))
    comb = _combine_pass()(w_scaled, expert_biases)
    return _apply_pass(x, comb)

# --- scband reference (transcript-rebuilt; emitter-appended) ---
"""Pipeline reference for scband-mo-ebias-layer-30674656428359 (READ-ONLY COPY).

The authoritative reference and input builder live on the scoring server;
editing this copy changes nothing except your own understanding.
"""

import jax, jax.numpy as jnp
import numpy as np

D_MODEL = 2048
NUM_EXPERTS = 8
TOP_K = 2
ROUTER_HIDDEN = 64
B, S = 4, 4096


def setup_inputs(seed: int = 0) -> dict:
    key = jax.random.key(seed)
    ks = jax.random.split(key, 6)
    x = jax.random.normal(ks[0], (B, S, D_MODEL), dtype=jnp.float32)
    W1 = jax.random.normal(ks[1], (D_MODEL, ROUTER_HIDDEN), dtype=jnp.float32) * 0.02
    b1 = jnp.zeros((ROUTER_HIDDEN,), dtype=jnp.float32)
    W2 = jax.random.normal(ks[2], (ROUTER_HIDDEN, NUM_EXPERTS), dtype=jnp.float32) * 0.02
    b2 = jnp.zeros((NUM_EXPERTS,), dtype=jnp.float32)
    expert_biases = jax.random.normal(ks[3], (NUM_EXPERTS, D_MODEL), dtype=jnp.float32) * 0.02
    bias_scale = jnp.ones((1,), dtype=jnp.float32) * 0.1
    return {"x": x, "W1": W1, "b1": b1, "W2": W2, "b2": b2,
            "expert_biases": expert_biases, "bias_scale": bias_scale}


def reference(x, W1, b1, W2, b2, expert_biases, bias_scale):
    batch_size, seq_len, d_model = x.shape
    # Router: mean-pool over sequence, 2-layer MLP
    routing_input = x.mean(axis=1)                      # [B, d_model]
    h = jax.nn.relu(routing_input @ W1 + b1)            # [B, router_hidden]
    routing_logits = h @ W2 + b2                        # [B, E]
    # Top-k masking
    if TOP_K < NUM_EXPERTS:
        top_k_values, top_k_indices = jax.lax.top_k(routing_logits, TOP_K)
        mask = jnp.zeros_like(routing_logits).at[
            jnp.arange(batch_size)[:, None], top_k_indices
        ].set(1.0)
        routing_logits = routing_logits * mask + (mask - 1.0) * 1e9
    expert_weights = jax.nn.softmax(routing_logits, axis=-1)   # [B, E]
    combined_bias = expert_weights @ expert_biases              # [B, d_model]
    combined_bias = jnp.broadcast_to(combined_bias[:, None, :], (batch_size, seq_len, d_model))
    output = x + bias_scale * combined_bias
    return output

if __name__ == "__main__":
    import jax
    _d = setup_inputs()
    print(jax.jit(kernel)(*tuple(_d.values())))

</pallas_src>

<mosaic_0001>
#map = affine_map<(d0, d1) -> (0, 0)>
module attributes {stable_mosaic.version = 14 : i64} {
  func.func @_combine_body(%arg0: i32, %arg1: i32, %arg2: memref<4x16xf32, #tpu.memory_space<hbm>>, %arg3: memref<8x2048xf32, #tpu.memory_space<hbm>>, %arg4: memref<4x2048xf32, #tpu.memory_space<hbm>>, %arg5: memref<16xf32, #tpu.memory_space<vmem>>, %arg6: memref<8x256xf32, #tpu.memory_space<vmem>>, %arg7: memref<256xf32, #tpu.memory_space<vmem>>) attributes {dimension_semantics = [#tpu.dimension_semantics<core_parallel>, #tpu.dimension_semantics<subcore_parallel>], iteration_bounds = array<i64: 2, 16>, scalar_prefetch = 0 : i64, scratch_operands = 3 : i64, tpu.core_type = #tpu.core_type<sc_vector_subcore>, window_params = [{transform_indices = #map}, {transform_indices = #map}, {transform_indices = #map}]} {
    %mul3A = arith.constant 2 : i32
    %mul3A_0 = arith.muli %arg1, %mul3A : i32
    %add3A = arith.addi %mul3A_0, %arg0 : i32
    %jit3A = arith.constant 8 : i32
    %div3A = arith.divsi %add3A, %jit3A : i32
    %sign3A = arith.constant 0 : i32
    %sign3A_1 = arith.cmpi sgt, %add3A, %sign3A : i32
    %sign3A_2 = arith.extui %sign3A_1 : i1 to i32
    %sign3A_3 = arith.constant 0 : i32
    %sign3A_4 = arith.cmpi slt, %add3A, %sign3A_3 : i32
    %sign3A_5 = arith.extui %sign3A_4 : i1 to i32
    %sign3A_6 = arith.subi %sign3A_2, %sign3A_5 : i32
    %sign3A_7 = arith.constant 0 : i32
    %sign3A_8 = arith.cmpi sgt, %jit3A, %sign3A_7 : i32
    %sign3A_9 = arith.extui %sign3A_8 : i1 to i32
    %sign3A_10 = arith.constant 0 : i32
    %sign3A_11 = arith.cmpi slt, %jit3A, %sign3A_10 : i32
    %sign3A_12 = arith.extui %sign3A_11 : i1 to i32
    %sign3A_13 = arith.subi %sign3A_9, %sign3A_12 : i32
    %ne3A = arith.cmpi ne, %sign3A_6, %sign3A_13 : i32
    %rem3A = arith.remsi %add3A, %jit3A : i32
    %ne3A_14 = arith.constant 0 : i32
    %ne3A_15 = arith.cmpi ne, %rem3A, %ne3A_14 : i32
    %and3A = arith.andi %ne3A, %ne3A_15 : i1
    %sub3A = arith.constant 1 : i32
    %sub3A_16 = arith.subi %div3A, %sub3A : i32
    %select_n3A = arith.select %and3A, %sub3A_16, %div3A : i32
    %jit3A_17 = arith.constant 8 : i32
    %eq3A = arith.constant 0 : i32
    %eq3A_18 = arith.cmpi eq, %jit3A_17, %eq3A : i32
    %jit3A_19 = arith.constant 1 : i32
    %select_n3A_20 = arith.select %eq3A_18, %jit3A_19, %jit3A_17 : i32
    %rem3A_21 = arith.remsi %add3A, %select_n3A_20 : i32
    %ne3A_22 = arith.constant 0 : i32
    %ne3A_23 = arith.cmpi ne, %rem3A_21, %ne3A_22 : i32
    %lt3A = arith.constant 0 : i32
    %lt3A_24 = arith.cmpi slt, %rem3A_21, %lt3A : i32
    %lt3A_25 = arith.constant 0 : i32
    %lt3A_26 = arith.cmpi slt, %select_n3A_20, %lt3A_25 : i32
    %ne3A_27 = arith.xori %lt3A_24, %lt3A_26 : i1
    %and3A_28 = arith.andi %ne3A_27, %ne3A_23 : i1
    %add3A_29 = arith.addi %rem3A_21, %select_n3A_20 : i32
    %select_n3A_30 = arith.select %and3A_28, %add3A_29, %rem3A_21 : i32
    "tpu.region"() ({
      %run_scoped3A = tpu.sem_alloc : memref<!tpu.dma_semaphore, #tpu.memory_space<semaphore_mem>>
      %dma_start3A = arith.constant 0 : i32
      %dma_start3A_1409 = tpu.memref_slice %arg2[%select_n3A, %dma_start3A] : memref<4x16xf32, #tpu.memory_space<hbm>> -> memref<1x16xf32, #tpu.memory_space<hbm>>
      %dma_start3A_1410 = tpu.memref_squeeze %dma_start3A_1409 : memref<1x16xf32, #tpu.memory_space<hbm>> -> memref<16xf32, #tpu.memory_space<hbm>>
      %dma_start3A_1411 = arith.constant 0 : i32
      %dma_start3A_1412 = tpu.memref_slice %arg2[%select_n3A, %dma_start3A_1411] : memref<4x16xf32, #tpu.memory_space<hbm>> -> memref<1x16xf32, #tpu.memory_space<hbm>>
      %dma_start3A_1413 = tpu.memref_squeeze %dma_start3A_1412 : memref<1x16xf32, #tpu.memory_space<hbm>> -> memref<16xf32, #tpu.memory_space<hbm>>
      tpu.enqueue_dma source(%dma_start3A_1413 : memref<16xf32, #tpu.memory_space<hbm>>) target(%arg5 : memref<16xf32, #tpu.memory_space<vmem>>) target_semaphore(%run_scoped3A : memref<!tpu.dma_semaphore, #tpu.memory_space<semaphore_mem>>)
      %dma_wait3A = arith.constant 0 : i32
      %dma_wait3A_1414 = tpu.memref_slice %arg2[%select_n3A, %dma_wait3A] : memref<4x16xf32, #tpu.memory_space<hbm>> -> memref<1x16xf32, #tpu.memory_space<hbm>>
      %dma_wait3A_1415 = tpu.memref_squeeze %dma_wait3A_1414 : memref<1x16xf32, #tpu.memory_space<hbm>> -> memref<16xf32, #tpu.memory_space<hbm>>
      %dma_wait3A_1416 = arith.constant 0 : i32
      %dma_wait3A_1417 = tpu.memref_slice %arg2[%select_n3A, %dma_wait3A_1416] : memref<4x16xf32, #tpu.memory_space<hbm>> -> memref<1x16xf32, #tpu.memory_space<hbm>>
      %dma_wait3A_1418 = tpu.memref_squeeze %dma_wait3A_1417 : memref<1x16xf32, #tpu.memory_space<hbm>> -> memref<16xf32, #tpu.memory_space<hbm>>
      tpu.wait_dma2 semaphore(%run_scoped3A : memref<!tpu.dma_semaphore, #tpu.memory_space<semaphore_mem>>) src(%dma_wait3A_1418 : memref<16xf32, #tpu.memory_space<hbm>>) dst(%arg5 : memref<16xf32, #tpu.memory_space<vmem>>)
      tpu.yield
    }) : () -> ()
    %mul3A_31 = arith.constant 256 : i32
    %mul3A_32 = arith.muli %select_n3A_30, %mul3A_31 : i32
    "tpu.region"() ({
      %run_scoped3A = tpu.sem_alloc : memref<!tpu.dma_semaphore, #tpu.memory_space<semaphore_mem>>
      %dma_start3A = arith.constant 0 : i32
      %dma_start3A_1409 = tpu.memref_slice %arg3[%dma_start3A, %mul3A_32] : memref<8x2048xf32, #tpu.memory_space<hbm>> -> memref<8x256xf32, #tpu.memory_space<hbm>>
      %dma_start3A_1410 = arith.constant 0 : i32
      %dma_start3A_1411 = tpu.memref_slice %arg3[%dma_start3A_1410, %mul3A_32] : memref<8x2048xf32, #tpu.memory_space<hbm>> -> memref<8x256xf32, #tpu.memory_space<hbm>>
      tpu.enqueue_dma source(%dma_start3A_1411 : memref<8x256xf32, #tpu.memory_space<hbm>>) target(%arg6 : memref<8x256xf32, #tpu.memory_space<vmem>>) target_semaphore(%run_scoped3A : memref<!tpu.dma_semaphore, #tpu.memory_space<semaphore_mem>>)
      %dma_wait3A = arith.constant 0 : i32
      %dma_wait3A_1412 = tpu.memref_slice %arg3[%dma_wait3A, %mul3A_32] : memref<8x2048xf32, #tpu.memory_space<hbm>> -> memref<8x256xf32, #tpu.memory_space<hbm>>
      %dma_wait3A_1413 = arith.constant 0 : i32
      %dma_wait3A_1414 = tpu.memref_slice %arg3[%dma_wait3A_1413, %mul3A_32] : memref<8x2048xf32, #tpu.memory_space<hbm>> -> memref<8x256xf32, #tpu.memory_space<hbm>>
      tpu.wait_dma2 semaphore(%run_scoped3A : memref<!tpu.dma_semaphore, #tpu.memory_space<semaphore_mem>>) src(%dma_wait3A_1414 : memref<8x256xf32, #tpu.memory_space<hbm>>) dst(%arg6 : memref<8x256xf32, #tpu.memory_space<vmem>>)
      tpu.yield
    }) : () -> ()
    %get3A = arith.constant 0 : index
    %get3A_33 = tpu.vector_load %arg5[%get3A] {strides = array<i32>} : memref<16xf32, #tpu.memory_space<vmem>>, vector<16xf32>,
    %get3A_34 = vector.shape_cast %get3A_33 : vector<16xf32> to vector<16xf32>
    %broadcast_in_dim3A = arith.constant 0.000000e+00 : f32
    %broadcast_in_dim3A_35 = vector.broadcast %broadcast_in_dim3A : f32 to vector<16xf32>
    %slice3A = vector.extract_strided_slice %get3A_34 {offsets = [0], sizes = [1], strides = [1]} : vector<16xf32> to vector<1xf32>
    %squeeze3A = vector.extract %slice3A[0] : f32 from vector<1xf32>
    %get3A_36 = arith.constant 0 : i32
    %get3A_37 = arith.index_cast %get3A_36 : i32 to index
    %get3A_38 = arith.constant 0 : index
    %get3A_39 = tpu.vector_load %arg6[%get3A_37, %get3A_38] {strides = array<i32>} : memref<8x256xf32, #tpu.memory_space<vmem>>, vector<1x16xf32>,
    %get3A_40 = vector.shape_cast %get3A_39 : vector<1x16xf32> to vector<16xf32>
    %mul3A_41 = vector.broadcast %squeeze3A : f32 to vector<16xf32>
    %mul3A_42 = arith.mulf %mul3A_41, %get3A_40 : vector<16xf32>
    %add3A_43 = arith.addf %broadcast_in_dim3A_35, %mul3A_42 : vector<16xf32>
    %slice3A_44 = vector.extract_strided_slice %get3A_34 {offsets = [1], sizes = [1], strides = [1]} : vector<16xf32> to vector<1xf32>
    %squeeze3A_45 = vector.extract %slice3A_44[0] : f32 from vector<1xf32>
    %get3A_46 = arith.constant 1 : i32
    %get3A_47 = arith.index_cast %get3A_46 : i32 to index
    %get3A_48 = arith.constant 0 : index
    %get3A_49 = tpu.vector_load %arg6[%get3A_47, %get3A_48] {strides = array<i32>} : memref<8x256xf32, #tpu.memory_space<vmem>>, vector<1x16xf32>,
    %get3A_50 = vector.shape_cast %get3A_49 : vector<1x16xf32> to vector<16xf32>
    %mul3A_51 = vector.broadcast %squeeze3A_45 : f32 to vector<16xf32>
    %mul3A_52 = arith.mulf %mul3A_51, %get3A_50 : vector<16xf32>
    %add3A_53 = arith.addf %add3A_43, %mul3A_52 : vector<16xf32>
    %slice3A_54 = vector.extract_strided_slice %get3A_34 {offsets = [2], sizes = [1], strides = [1]} : vector<16xf32> to vector<1xf32>
    %squeeze3A_55 = vector.extract %slice3A_54[0] : f32 from vector<1xf32>
    %get3A_56 = arith.constant 2 : i32
    %get3A_57 = arith.index_cast %get3A_56 : i32 to index
    %get3A_58 = arith.constant 0 : index
    %get3A_59 = tpu.vector_load %arg6[%get3A_57, %get3A_58] {strides = array<i32>} : memref<8x256xf32, #tpu.memory_space<vmem>>, vector<1x16xf32>,
    %get3A_60 = vector.shape_cast %get3A_59 : vector<1x16xf32> to vector<16xf32>
    %mul3A_61 = vector.broadcast %squeeze3A_55 : f32 to vector<16xf32>
    %mul3A_62 = arith.mulf %mul3A_61, %get3A_60 : vector<16xf32>
    %add3A_63 = arith.addf %add3A_53, %mul3A_62 : vector<16xf32>
    %slice3A_64 = vector.extract_strided_slice %get3A_34 {offsets = [3], sizes = [1], strides = [1]} : vector<16xf32> to vector<1xf32>
    %squeeze3A_65 = vector.extract %slice3A_64[0] : f32 from vector<1xf32>
    %get3A_66 = arith.constant 3 : i32
    %get3A_67 = arith.index_cast %get3A_66 : i32 to index
    %get3A_68 = arith.constant 0 : index
    %get3A_69 = tpu.vector_load %arg6[%get3A_67, %get3A_68] {strides = array<i32>} : memref<8x256xf32, #tpu.memory_space<vmem>>, vector<1x16xf32>,
    %get3A_70 = vector.shape_cast %get3A_69 : vector<1x16xf32> to vector<16xf32>
    %mul3A_71 = vector.broadcast %squeeze3A_65 : f32 to vector<16xf32>
    %mul3A_72 = arith.mulf %mul3A_71, %get3A_70 : vector<16xf32>
    %add3A_73 = arith.addf %add3A_63, %mul3A_72 : vector<16xf32>
    %slice3A_74 = vector.extract_strided_slice %get3A_34 {offsets = [4], sizes = [1], strides = [1]} : vector<16xf32> to vector<1xf32>
    %squeeze3A_75 = vector.extract %slice3A_74[0] : f32 from vector<1xf32>
    %get3A_76 = arith.constant 4 : i32
    %get3A_77 = arith.index_cast %get3A_76 : i32 to index
    %get3A_78 = arith.constant 0 : index
    %get3A_79 = tpu.vector_load %arg6[%get3A_77, %get3A_78] {strides = array<i32>} : memref<8x256xf32, #tpu.memory_space<vmem>>, vector<1x16xf32>,
    %get3A_80 = vector.shape_cast %get3A_79 : vector<1x16xf32> to vector<16xf32>
    %mul3A_81 = vector.broadcast %squeeze3A_75 : f32 to vector<16xf32>
    %mul3A_82 = arith.mulf %mul3A_81, %get3A_80 : vector<16xf32>
    %add3A_83 = arith.addf %add3A_73, %mul3A_82 : vector<16xf32>
    %slice3A_84 = vector.extract_strided_slice %get3A_34 {offsets = [5], sizes = [1], strides = [1]} : vector<16xf32> to vector<1xf32>
    %squeeze3A_85 = vector.extract %slice3A_84[0] : f32 from vector<1xf32>
    %get3A_86 = arith.constant 5 : i32
    %get3A_87 = arith.index_cast %get3A_86 : i32 to index
    %get3A_88 = arith.constant 0 : index
    %get3A_89 = tpu.vector_load %arg6[%get3A_87, %get3A_88] {strides = array<i32>} : memref<8x256xf32, #tpu.memory_space<vmem>>, vector<1x16xf32>,
    %get3A_90 = vector.shape_cast %get3A_89 : vector<1x16xf32> to vector<16xf32>
    %mul3A_91 = vector.broadcast %squeeze3A_85 : f32 to vector<16xf32>
    %mul3A_92 = arith.mulf %mul3A_91, %get3A_90 : vector<16xf32>
    %add3A_93 = arith.addf %add3A_83, %mul3A_92 : vector<16xf32>
    %slice3A_94 = vector.extract_strided_slice %get3A_34 {offsets = [6], sizes = [1], strides = [1]} : vector<16xf32> to vector<1xf32>
    %squeeze3A_95 = vector.extract %slice3A_94[0] : f32 from vector<1xf32>
    %get3A_96 = arith.constant 6 : i32
    %get3A_97 = arith.index_cast %get3A_96 : i32 to index
    %get3A_98 = arith.constant 0 : index
    %get3A_99 = tpu.vector_load %arg6[%get3A_97, %get3A_98] {strides = array<i32>} : memref<8x256xf32, #tpu.memory_space<vmem>>, vector<1x16xf32>,
    %get3A_100 = vector.shape_cast %get3A_99 : vector<1x16xf32> to vector<16xf32>
    %mul3A_101 = vector.broadcast %squeeze3A_95 : f32 to vector<16xf32>
    %mul3A_102 = arith.mulf %mul3A_101, %get3A_100 : vector<16xf32>
    %add3A_103 = arith.addf %add3A_93, %mul3A_102 : vector<16xf32>
    %slice3A_104 = vector.extract_strided_slice %get3A_34 {offsets = [7], sizes = [1], strides = [1]} : vector<16xf32> to vector<1xf32>
    %squeeze3A_105 = vector.extract %slice3A_104[0] : f32 from vector<1xf32>
    %get3A_106 = arith.constant 7 : i32
    %get3A_107 = arith.index_cast %get3A_106 : i32 to index
    %get3A_108 = arith.constant 0 : index
    %get3A_109 = tpu.vector_load %arg6[%get3A_107, %get3A_108] {strides = array<i32>} : memref<8x256xf32, #tpu.memory_space<vmem>>, vector<1x16xf32>,
    %get3A_110 = vector.shape_cast %get3A_109 : vector<1x16xf32> to vector<16xf32>
    %mul3A_111 = vector.broadcast %squeeze3A_105 : f32 to vector<16xf32>
    %mul3A_112 = arith.mulf %mul3A_111, %get3A_110 : vector<16xf32>
    %add3A_113 = arith.addf %add3A_103, %mul3A_112 : vector<16xf32>
    %swap3A = arith.constant 0 : index
    %swap3A_114 = tpu.vector_load %arg7[%swap3A] {strides = array<i32>} : memref<256xf32, #tpu.memory_space<vmem>>, vector<16xf32>,
    %swap3A_115 = vector.shape_cast %swap3A_114 : vector<16xf32> to vector<16xf32>
    %swap3A_116 = vector.shape_cast %add3A_113 : vector<16xf32> to vector<16xf32>
    tpu.vector_store %arg7[%swap3A], %swap3A_116 {strides = array<i32>} : memref<256xf32, #tpu.memory_space<vmem>>, vector<16xf32>,
    %broadcast_in_dim3A_117 = arith.constant 0.000000e+00 : f32
    %broadcast_in_dim3A_118 = vector.broadcast %broadcast_in_dim3A_117 : f32 to vector<16xf32>
    %slice3A_119 = vector.extract_strided_slice %get3A_34 {offsets = [0], sizes = [1], strides = [1]} : vector<16xf32> to vector<1xf32>
    %squeeze3A_120 = vector.extract %slice3A_119[0] : f32 from vector<1xf32>
    %get3A_121 = arith.constant 0 : i32
    %get3A_122 = arith.index_cast %get3A_121 : i32 to index
    %get3A_123 = arith.constant 16 : index
    %get3A_124 = tpu.vector_load %arg6[%get3A_122, %get3A_123] {strides = array<i32>} : memref<8x256xf32, #tpu.memory_space<vmem>>, vector<1x16xf32>,
    %get3A_125 = vector.shape_cast %get3A_124 : vector<1x16xf32> to vector<16xf32>
    %mul3A_126 = vector.broadcast %squeeze3A_120 : f32 to vector<16xf32>
    %mul3A_127 = arith.mulf %mul3A_126, %get3A_125 : vector<16xf32>
    %add3A_128 = arith.addf %broadcast_in_dim3A_118, %mul3A_127 : vector<16xf32>
    %slice3A_129 = vector.extract_strided_slice %get3A_34 {offsets = [1], sizes = [1], strides = [1]} : vector<16xf32> to vector<1xf32>
    %squeeze3A_130 = vector.extract %slice3A_129[0] : f32 from vector<1xf32>
    %get3A_131 = arith.constant 1 : i32
    %get3A_132 = arith.index_cast %get3A_131 : i32 to index
    %get3A_133 = arith.constant 16 : index
    %get3A_134 = tpu.vector_load %arg6[%get3A_132, %get3A_133] {strides = array<i32>} : memref<8x256xf32, #tpu.memory_space<vmem>>, vector<1x16xf32>,
    %get3A_135 = vector.shape_cast %get3A_134 : vector<1x16xf32> to vector<16xf32>
    %mul3A_136 = vector.broadcast %squeeze3A_130 : f32 to vector<16xf32>
    %mul3A_137 = arith.mulf %mul3A_136, %get3A_135 : vector<16xf32>
    %add3A_138 = arith.addf %add3A_128, %mul3A_137 : vector<16xf32>
    %slice3A_139 = vector.extract_strided_slice %get3A_34 {offsets = [2], sizes = [1], strides = [1]} : vector<16xf32> to vector<1xf32>
    %squeeze3A_140 = vector.extract %slice3A_139[0] : f32 from vector<1xf32>
    %get3A_141 = arith.constant 2 : i32
    %get3A_142 = arith.index_cast %get3A_141 : i32 to index
    %get3A_143 = arith.constant 16 : index
    %get3A_144 = tpu.vector_load %arg6[%get3A_142, %get3A_143] {strides = array<i32>} : memref<8x256xf32, #tpu.memory_space<vmem>>, vector<1x16xf32>,
    %get3A_145 = vector.shape_cast %get3A_144 : vector<1x16xf32> to vector<16xf32>
    %mul3A_146 = vector.broadcast %squeeze3A_140 : f32 to vector<16xf32>
    %mul3A_147 = arith.mulf %mul3A_146, %get3A_145 : vector<16xf32>
    %add3A_148 = arith.addf %add3A_138, %mul3A_147 : vector<16xf32>
    %slice3A_149 = vector.extract_strided_slice %get3A_34 {offsets = [3], sizes = [1], strides = [1]} : vector<16xf32> to vector<1xf32>
    %squeeze3A_150 = vector.extract %slice3A_149[0] : f32 from vector<1xf32>
    %get3A_151 = arith.constant 3 : i32
    %get3A_152 = arith.index_cast %get3A_151 : i32 to index
    %get3A_153 = arith.constant 16 : index
    %get3A_154 = tpu.vector_load %arg6[%get3A_152, %get3A_153] {strides = array<i32>} : memref<8x256xf32, #tpu.memory_space<vmem>>, vector<1x16xf32>,
    %get3A_155 = vector.shape_cast %get3A_154 : vector<1x16xf32> to vector<16xf32>
    %mul3A_156 = vector.broadcast %squeeze3A_150 : f32 to vector<16xf32>
    %mul3A_157 = arith.mulf %mul3A_156, %get3A_155 : vector<16xf32>
    %add3A_158 = arith.addf %add3A_148, %mul3A_157 : vector<16xf32>
    %slice3A_159 = vector.extract_strided_slice %get3A_34 {offsets = [4], sizes = [1], strides = [1]} : vector<16xf32> to vector<1xf32>
    %squeeze3A_160 = vector.extract %slice3A_159[0] : f32 from vector<1xf32>
    %get3A_161 = arith.constant 4 : i32
    %get3A_162 = arith.index_cast %get3A_161 : i32 to index
    %get3A_163 = arith.constant 16 : index
    %get3A_164 = tpu.vector_load %arg6[%get3A_162, %get3A_163] {strides = array<i32>} : memref<8x256xf32, #tpu.memory_space<vmem>>, vector<1x16xf32>,
    %get3A_165 = vector.shape_cast %get3A_164 : vector<1x16xf32> to vector<16xf32>
    %mul3A_166 = vector.broadcast %squeeze3A_160 : f32 to vector<16xf32>
    %mul3A_167 = arith.mulf %mul3A_166, %get3A_165 : vector<16xf32>
    %add3A_168 = arith.addf %add3A_158, %mul3A_167 : vector<16xf32>
    %slice3A_169 = vector.extract_strided_slice %get3A_34 {offsets = [5], sizes = [1], strides = [1]} : vector<16xf32> to vector<1xf32>
    %squeeze3A_170 = vector.extract %slice3A_169[0] : f32 from vector<1xf32>
    %get3A_171 = arith.constant 5 : i32
    %get3A_172 = arith.index_cast %get3A_171 : i32 to index
    %get3A_173 = arith.constant 16 : index
    %get3A_174 = tpu.vector_load %arg6[%get3A_172, %get3A_173] {strides = array<i32>} : memref<8x256xf32, #tpu.memory_space<vmem>>, vector<1x16xf32>,
    %get3A_175 = vector.shape_cast %get3A_174 : vector<1x16xf32> to vector<16xf32>
    %mul3A_176 = vector.broadcast %squeeze3A_170 : f32 to vector<16xf32>
    %mul3A_177 = arith.mulf %mul3A_176, %get3A_175 : vector<16xf32>
    %add3A_178 = arith.addf %add3A_168, %mul3A_177 : vector<16xf32>
    %slice3A_179 = vector.extract_strided_slice %get3A_34 {offsets = [6], sizes = [1], strides = [1]} : vector<16xf32> to vector<1xf32>
    %squeeze3A_180 = vector.extract %slice3A_179[0] : f32 from vector<1xf32>
    %get3A_181 = arith.constant 6 : i32
    %get3A_182 = arith.index_cast %get3A_181 : i32 to index
    %get3A_183 = arith.constant 16 : index
    %get3A_184 = tpu.vector_load %arg6[%get3A_182, %get3A_183] {strides = array<i32>} : memref<8x256xf32, #tpu.memory_space<vmem>>, vector<1x16xf32>,
    %get3A_185 = vector.shape_cast %get3A_184 : vector<1x16xf32> to vector<16xf32>
    %mul3A_186 = vector.broadcast %squeeze3A_180 : f32 to vector<16xf32>
    %mul3A_187 = arith.mulf %mul3A_186, %get3A_185 : vector<16xf32>
    %add3A_188 = arith.addf %add3A_178, %mul3A_187 : vector<16xf32>
    %slice3A_189 = vector.extract_strided_slice %get3A_34 {offsets = [7], sizes = [1], strides = [1]} : vector<16xf32> to vector<1xf32>
    %squeeze3A_190 = vector.extract %slice3A_189[0] : f32 from vector<1xf32>
    %get3A_191 = arith.constant 7 : i32
    %get3A_192 = arith.index_cast %get3A_191 : i32 to index
    %get3A_193 = arith.constant 16 : index
    %get3A_194 = tpu.vector_load %arg6[%get3A_192, %get3A_193] {strides = array<i32>} : memref<8x256xf32, #tpu.memory_space<vmem>>, vector<1x16xf32>,
    %get3A_195 = vector.shape_cast %get3A_194 : vector<1x16xf32> to vector<16xf32>
    %mul3A_196 = vector.broadcast %squeeze3A_190 : f32 to vector<16xf32>
    %mul3A_197 = arith.mulf %mul3A_196, %get3A_195 : vector<16xf32>
    %add3A_198 = arith.addf %add3A_188, %mul3A_197 : vector<16xf32>
    %swap3A_199 = arith.constant 16 : index
    %swap3A_200 = tpu.vector_load %arg7[%swap3A_199] {strides = array<i32>} : memref<256xf32, #tpu.memory_space<vmem>>, vector<16xf32>,
    %swap3A_201 = vector.shape_cast %swap3A_200 : vector<16xf32> to vector<16xf32>
    %swap3A_202 = vector.shape_cast %add3A_198 : vector<16xf32> to vector<16xf32>
    tpu.vector_store %arg7[%swap3A_199], %swap3A_202 {strides = array<i32>} : memref<256xf32, #tpu.memory_space<vmem>>, vector<16xf32>,
    %broadcast_in_dim3A_203 = arith.constant 0.000000e+00 : f32
    %broadcast_in_dim3A_204 = vector.broadcast %broadcast_in_dim3A_203 : f32 to vector<16xf32>
    %slice3A_205 = vector.extract_strided_slice %get3A_34 {offsets = [0], sizes = [1], strides = [1]} : vector<16xf32> to vector<1xf32>
    %squeeze3A_206 = vector.extract %slice3A_205[0] : f32 from vector<1xf32>
    %get3A_207 = arith.constant 0 : i32
    %get3A_208 = arith.index_cast %get3A_207 : i32 to index
    %get3A_209 = arith.constant 32 : index
    %get3A_210 = tpu.vector_load %arg6[%get3A_208, %get3A_209] {strides = array<i32>} : memref<8x256xf32, #tpu.memory_space<vmem>>, vector<1x16xf32>,
    %get3A_211 = vector.shape_cast %get3A_210 : vector<1x16xf32> to vector<16xf32>
    %mul3A_212 = vector.broadcast %squeeze3A_206 : f32 to vector<16xf32>
    %mul3A_213 = arith.mulf %mul3A_212, %get3A_211 : vector<16xf32>
    %add3A_214 = arith.addf %broadcast_in_dim3A_204, %mul3A_213 : vector<16xf32>
    %slice3A_215 = vector.extract_strided_slice %get3A_34 {offsets = [1], sizes = [1], strides = [1]} : vector<16xf32> to vector<1xf32>
    %squeeze3A_216 = vector.extract %slice3A_215[0] : f32 from vector<1xf32>
    %get3A_217 = arith.constant 1 : i32
    %get3A_218 = arith.index_cast %get3A_217 : i32 to index
    %get3A_219 = arith.constant 32 : index
    %get3A_220 = tpu.vector_load %arg6[%get3A_218, %get3A_219] {strides = array<i32>} : memref<8x256xf32, #tpu.memory_space<vmem>>, vector<1x16xf32>,
    %get3A_221 = vector.shape_cast %get3A_220 : vector<1x16xf32> to vector<16xf32>
    %mul3A_222 = vector.broadcast %squeeze3A_216 : f32 to vector<16xf32>
    %mul3A_223 = arith.mulf %mul3A_222, %get3A_221 : vector<16xf32>
    %add3A_224 = arith.addf %add3A_214, %mul3A_223 : vector<16xf32>
    %slice3A_225 = vector.extract_strided_slice %get3A_34 {offsets = [2], sizes = [1], strides = [1]} : vector<16xf32> to vector<1xf32>
    %squeeze3A_226 = vector.extract %slice3A_225[0] : f32 from vector<1xf32>
    %get3A_227 = arith.constant 2 : i32
    %get3A_228 = arith.index_cast %get3A_227 : i32 to index
    %get3A_229 = arith.constant 32 : index
    %get3A_230 = tpu.vector_load %arg6[%get3A_228, %get3A_229] {strides = array<i32>} : memref<8x256xf32, #tpu.memory_space<vmem>>, vector<1x16xf32>,
    %get3A_231 = vector.shape_cast %get3A_230 : vector<1x16xf32> to vector<16xf32>
    %mul3A_232 = vector.broadcast %squeeze3A_226 : f32 to vector<16xf32>
    %mul3A_233 = arith.mulf %mul3A_232, %get3A_231 : vector<16xf32>
    %add3A_234 = arith.addf %add3A_224, %mul3A_233 : vector<16xf32>
    %slice3A_235 = vector.extract_strided_slice %get3A_34 {offsets = [3], sizes = [1], strides = [1]} : vector<16xf32> to vector<1xf32>
    %squeeze3A_236 = vector.extract %slice3A_235[0] : f32 from vector<1xf32>
    %get3A_237 = arith.constant 3 : i32
    %get3A_238 = arith.index_cast %get3A_237 : i32 to index
    %get3A_239 = arith.constant 32 : index
    %get3A_240 = tpu.vector_load %arg6[%get3A_238, %get3A_239] {strides = array<i32>} : memref<8x256xf32, #tpu.memory_space<vmem>>, vector<1x16xf32>,
    %get3A_241 = vector.shape_cast %get3A_240 : vector<1x16xf32> to vector<16xf32>
    %mul3A_242 = vector.broadcast %squeeze3A_236 : f32 to vector<16xf32>
    %mul3A_243 = arith.mulf %mul3A_242, %get3A_241 : vector<16xf32>
    %add3A_244 = arith.addf %add3A_234, %mul3A_243 : vector<16xf32>
    %slice3A_245 = vector.extract_strided_slice %get3A_34 {offsets = [4], sizes = [1], strides = [1]} : vector<16xf32> to vector<1xf32>
    %squeeze3A_246 = vector.extract %slice3A_245[0] : f32 from vector<1xf32>
    %get3A_247 = arith.constant 4 : i32
    %get3A_248 = arith.index_cast %get3A_247 : i32 to index
    %get3A_249 = arith.constant 32 : index
    %get3A_250 = tpu.vector_load %arg6[%get3A_248, %get3A_249] {strides = array<i32>} : memref<8x256xf32, #tpu.memory_space<vmem>>, vector<1x16xf32>,
    %get3A_251 = vector.shape_cast %get3A_250 : vector<1x16xf32> to vector<16xf32>
    %mul3A_252 = vector.broadcast %squeeze3A_246 : f32 to vector<16xf32>
    %mul3A_253 = arith.mulf %mul3A_252, %get3A_251 : vector<16xf32>
    %add3A_254 = arith.addf %add3A_244, %mul3A_253 : vector<16xf32>
    %slice3A_255 = vector.extract_strided_slice %get3A_34 {offsets = [5], sizes = [1], strides = [1]} : vector<16xf32> to vector<1xf32>
    %squeeze3A_256 = vector.extract %slice3A_255[0] : f32 from vector<1xf32>
    %get3A_257 = arith.constant 5 : i32
    %get3A_258 = arith.index_cast %get3A_257 : i32 to index
    %get3A_259 = arith.constant 32 : index
    %get3A_260 = tpu.vector_load %arg6[%get3A_258, %get3A_259] {strides = array<i32>} : memref<8x256xf32, #tpu.memory_space<vmem>>, vector<1x16xf32>,
    %get3A_261 = vector.shape_cast %get3A_260 : vector<1x16xf32> to vector<16xf32>
    %mul3A_262 = vector.broadcast %squeeze3A_256 : f32 to vector<16xf32>
    %mul3A_263 = arith.mulf %mul3A_262, %get3A_261 : vector<16xf32>
    %add3A_264 = arith.addf %add3A_254, %mul3A_263 : vector<16xf32>
    %slice3A_265 = vector.extract_strided_slice %get3A_34 {offsets = [6], sizes = [1], strides = [1]} : vector<16xf32> to vector<1xf32>
    %squeeze3A_266 = vector.extract %slice3A_265[0] : f32 from vector<1xf32>
    %get3A_267 = arith.constant 6 : i32
    %get3A_268 = arith.index_cast %get3A_267 : i32 to index
    %get3A_269 = arith.constant 32 : index
    %get3A_270 = tpu.vector_load %arg6[%get3A_268, %get3A_269] {strides = array<i32>} : memref<8x256xf32, #tpu.memory_space<vmem>>, vector<1x16xf32>,
    %get3A_271 = vector.shape_cast %get3A_270 : vector<1x16xf32> to vector<16xf32>
    %mul3A_272 = vector.broadcast %squeeze3A_266 : f32 to vector<16xf32>
    %mul3A_273 = arith.mulf %mul3A_272, %get3A_271 : vector<16xf32>
    %add3A_274 = arith.addf %add3A_264, %mul3A_273 : vector<16xf32>
    %slice3A_275 = vector.extract_strided_slice %get3A_34 {offsets = [7], sizes = [1], strides = [1]} : vector<16xf32> to vector<1xf32>
    %squeeze3A_276 = vector.extract %slice3A_275[0] : f32 from vector<1xf32>
    %get3A_277 = arith.constant 7 : i32
    %get3A_278 = arith.index_cast %get3A_277 : i32 to index
    %get3A_279 = arith.constant 32 : index
    %get3A_280 = tpu.vector_load %arg6[%get3A_278, %get3A_279] {strides = array<i32>} : memref<8x256xf32, #tpu.memory_space<vmem>>, vector<1x16xf32>,
    %get3A_281 = vector.shape_cast %get3A_280 : vector<1x16xf32> to vector<16xf32>
    %mul3A_282 = vector.broadcast %squeeze3A_276 : f32 to vector<16xf32>
    %mul3A_283 = arith.mulf %mul3A_282, %get3A_281 : vector<16xf32>
    %add3A_284 = arith.addf %add3A_274, %mul3A_283 : vector<16xf32>
    %swap3A_285 = arith.constant 32 : index
    %swap3A_286 = tpu.vector_load %arg7[%swap3A_285] {strides = array<i32>} : memref<256xf32, #tpu.memory_space<vmem>>, vector<16xf32>,
    %swap3A_287 = vector.shape_cast %swap3A_286 : vector<16xf32> to vector<16xf32>
    %swap3A_288 = vector.shape_cast %add3A_284 : vector<16xf32> to vector<16xf32>
    tpu.vector_store %arg7[%swap3A_285], %swap3A_288 {strides = array<i32>} : memref<256xf32, #tpu.memory_space<vmem>>, vector<16xf32>,
    %broadcast_in_dim3A_289 = arith.constant 0.000000e+00 : f32
    %broadcast_in_dim3A_290 = vector.broadcast %broadcast_in_dim3A_289 : f32 to vector<16xf32>
    %slice3A_291 = vector.extract_strided_slice %get3A_34 {offsets = [0], sizes = [1], strides = [1]} : vector<16xf32> to vector<1xf32>
    %squeeze3A_292 = vector.extract %slice3A_291[0] : f32 from vector<1xf32>
    %get3A_293 = arith.constant 0 : i32
    %get3A_294 = arith.index_cast %get3A_293 : i32 to index
    %get3A_295 = arith.constant 48 : index
    %get3A_296 = tpu.vector_load %arg6[%get3A_294, %get3A_295] {strides = array<i32>} : memref<8x256xf32, #tpu.memory_space<vmem>>, vector<1x16xf32>,
    %get3A_297 = vector.shape_cast %get3A_296 : vector<1x16xf32> to vector<16xf32>
    %mul3A_298 = vector.broadcast %squeeze3A_292 : f32 to vector<16xf32>
    %mul3A_299 = arith.mulf %mul3A_298, %get3A_297 : vector<16xf32>
    %add3A_300 = arith.addf %broadcast_in_dim3A_290, %mul3A_299 : vector<16xf32>
    %slice3A_301 = vector.extract_strided_slice %get3A_34 {offsets = [1], sizes = [1], strides = [1]} : vector<16xf32> to vector<1xf32>
    %squeeze3A_302 = vector.extract %slice3A_301[0] : f32 from vector<1xf32>
    %get3A_303 = arith.constant 1 : i32
    %get3A_304 = arith.index_cast %get3A_303 : i32 to index
    %get3A_305 = arith.constant 48 : index
    %get3A_306 = tpu.vector_load %arg6[%get3A_304, %get3A_305] {strides = array<i32>} : memref<8x256xf32, #tpu.memory_space<vmem>>, vector<1x16xf32>,
    %get3A_307 = vector.shape_cast %get3A_306 : vector<1x16xf32> to vector<16xf32>
    %mul3A_308 = vector.broadcast %squeeze3A_302 : f32 to vector<16xf32>
    %mul3A_309 = arith.mulf %mul3A_308, %get3A_307 : vector<16xf32>
    %add3A_310 = arith.addf %add3A_300, %mul3A_309 : vector<16xf32>
    %slice3A_311 = vector.extract_strided_slice %get3A_34 {offsets = [2], sizes = [1], strides = [1]} : vector<16xf32> to vector<1xf32>
    %squeeze3A_312 = vector.extract %slice3A_311[0] : f32 from vector<1xf32>
    %get3A_313 = arith.constant 2 : i32
    %get3A_314 = arith.index_cast %get3A_313 : i32 to index
    %get3A_315 = arith.constant 48 : index
    %get3A_316 = tpu.vector_load %arg6[%get3A_314, %get3A_315] {strides = array<i32>} : memref<8x256xf32, #tpu.memory_space<vmem>>, vector<1x16xf32>,
    %get3A_317 = vector.shape_cast %get3A_316 : vector<1x16xf32> to vector<16xf32>
    %mul3A_318 = vector.broadcast %squeeze3A_312 : f32 to vector<16xf32>
    %mul3A_319 = arith.mulf %mul3A_318, %get3A_317 : vector<16xf32>
    %add3A_320 = arith.addf %add3A_310, %mul3A_319 : vector<16xf32>
    %slice3A_321 = vector.extract_strided_slice %get3A_34 {offsets = [3], sizes = [1], strides = [1]} : vector<16xf32> to vector<1xf32>
    %squeeze3A_322 = vector.extract %slice3A_321[0] : f32 from vector<1xf32>
    %get3A_323 = arith.constant 3 : i32
    %get3A_324 = arith.index_cast %get3A_323 : i32 to index
    %get3A_325 = arith.constant 48 : index
    %get3A_326 = tpu.vector_load %arg6[%get3A_324, %get3A_325] {strides = array<i32>} : memref<8x256xf32, #tpu.memory_space<vmem>>, vector<1x16xf32>,
    %get3A_327 = vector.shape_cast %get3A_326 : vector<1x16xf32> to vector<16xf32>
    %mul3A_328 = vector.broadcast %squeeze3A_322 : f32 to vector<16xf32>
    %mul3A_329 = arith.mulf %mul3A_328, %get3A_327 : vector<16xf32>
    %add3A_330 = arith.addf %add3A_320, %mul3A_329 : vector<16xf32>
    %slice3A_331 = vector.extract_strided_slice %get3A_34 {offsets = [4], sizes = [1], strides = [1]} : vector<16xf32> to vector<1xf32>
    %squeeze3A_332 = vector.extract %slice3A_331[0] : f32 from vector<1xf32>
    %get3A_333 = arith.constant 4 : i32
    %get3A_334 = arith.index_cast %get3A_333 : i32 to index
    %get3A_335 = arith.constant 48 : index
    %get3A_336 = tpu.vector_load %arg6[%get3A_334, %get3A_335] {strides = array<i32>} : memref<8x256xf32, #tpu.memory_space<vmem>>, vector<1x16xf32>,
    %get3A_337 = vector.shape_cast %get3A_336 : vector<1x16xf32> to vector<16xf32>
    %mul3A_338 = vector.broadcast %squeeze3A_332 : f32 to vector<16xf32>
    %mul3A_339 = arith.mulf %mul3A_338, %get3A_337 : vector<16xf32>
    %add3A_340 = arith.addf %add3A_330, %mul3A_339 : vector<16xf32>
    %slice3A_341 = vector.extract_strided_slice %get3A_34 {offsets = [5], sizes = [1], strides = [1]} : vector<16xf32> to vector<1xf32>
    %squeeze3A_342 = vector.extract %slice3A_341[0] : f32 from vector<1xf32>
    %get3A_343 = arith.constant 5 : i32
    %get3A_344 = arith.index_cast %get3A_343 : i32 to index
    %get3A_345 = arith.constant 48 : index
    %get3A_346 = tpu.vector_load %arg6[%get3A_344, %get3A_345] {strides = array<i32>} : memref<8x256xf32, #tpu.memory_space<vmem>>, vector<1x16xf32>,
    %get3A_347 = vector.shape_cast %get3A_346 : vector<1x16xf32> to vector<16xf32>
    %mul3A_348 = vector.broadcast %squeeze3A_342 : f32 to vector<16xf32>
    %mul3A_349 = arith.mulf %mul3A_348, %get3A_347 : vector<16xf32>
    %add3A_350 = arith.addf %add3A_340, %mul3A_349 : vector<16xf32>
    %slice3A_351 = vector.extract_strided_slice %get3A_34 {offsets = [6], sizes = [1], strides = [1]} : vector<16xf32> to vector<1xf32>
    %squeeze3A_352 = vector.extract %slice3A_351[0] : f32 from vector<1xf32>
    %get3A_353 = arith.constant 6 : i32
    %get3A_354 = arith.index_cast %get3A_353 : i32 to index
    %get3A_355 = arith.constant 48 : index
    %get3A_356 = tpu.vector_load %arg6[%get3A_354, %get3A_355] {strides = array<i32>} : memref<8x256xf32, #tpu.memory_space<vmem>>, vector<1x16xf32>,
    %get3A_357 = vector.shape_cast %get3A_356 : vector<1x16xf32> to vector<16xf32>
    %mul3A_358 = vector.broadcast %squeeze3A_352 : f32 to vector<16xf32>
    %mul3A_359 = arith.mulf %mul3A_358, %get3A_357 : vector<16xf32>
    %add3A_360 = arith.addf %add3A_350, %mul3A_359 : vector<16xf32>
    %slice3A_361 = vector.extract_strided_slice %get3A_34 {offsets = [7], sizes = [1], strides = [1]} : vector<16xf32> to vector<1xf32>
    %squeeze3A_362 = vector.extract %slice3A_361[0] : f32 from vector<1xf32>
    %get3A_363 = arith.constant 7 : i32
    %get3A_364 = arith.index_cast %get3A_363 : i32 to index
    %get3A_365 = arith.constant 48 : index
    %get3A_366 = tpu.vector_load %arg6[%get3A_364, %get3A_365] {strides = array<i32>} : memref<8x256xf32, #tpu.memory_space<vmem>>, vector<1x16xf32>,
    %get3A_367 = vector.shape_cast %get3A_366 : vector<1x16xf32> to vector<16xf32>
    %mul3A_368 = vector.broadcast %squeeze3A_362 : f32 to vector<16xf32>
    %mul3A_369 = arith.mulf %mul3A_368, %get3A_367 : vector<16xf32>
    %add3A_370 = arith.addf %add3A_360, %mul3A_369 : vector<16xf32>
    %swap3A_371 = arith.constant 48 : index
    %swap3A_372 = tpu.vector_load %arg7[%swap3A_371] {strides = array<i32>} : memref<256xf32, #tpu.memory_space<vmem>>, vector<16xf32>,
    %swap3A_373 = vector.shape_cast %swap3A_372 : vector<16xf32> to vector<16xf32>
    %swap3A_374 = vector.shape_cast %add3A_370 : vector<16xf32> to vector<16xf32>
    tpu.vector_store %arg7[%swap3A_371], %swap3A_374 {strides = array<i32>} : memref<256xf32, #tpu.memory_space<vmem>>, vector<16xf32>,
    %broadcast_in_dim3A_375 = arith.constant 0.000000e+00 : f32
    %broadcast_in_dim3A_376 = vector.broadcast %broadcast_in_dim3A_375 : f32 to vector<16xf32>
    %slice3A_377 = vector.extract_strided_slice %get3A_34 {offsets = [0], sizes = [1], strides = [1]} : vector<16xf32> to vector<1xf32>
    %squeeze3A_378 = vector.extract %slice3A_377[0] : f32 from vector<1xf32>
    %get3A_379 = arith.constant 0 : i32
    %get3A_380 = arith.index_cast %get3A_379 : i32 to index
    %get3A_381 = arith.constant 64 : index
    %get3A_382 = tpu.vector_load %arg6[%get3A_380, %get3A_381] {strides = array<i32>} : memref<8x256xf32, #tpu.memory_space<vmem>>, vector<1x16xf32>,
    %get3A_383 = vector.shape_cast %get3A_382 : vector<1x16xf32> to vector<16xf32>
    %mul3A_384 = vector.broadcast %squeeze3A_378 : f32 to vector<16xf32>
    %mul3A_385 = arith.mulf %mul3A_384, %get3A_383 : vector<16xf32>
    %add3A_386 = arith.addf %broadcast_in_dim3A_376, %mul3A_385 : vector<16xf32>
    %slice3A_387 = vector.extract_strided_slice %get3A_34 {offsets = [1], sizes = [1], strides = [1]} : vector<16xf32> to vector<1xf32>
    %squeeze3A_388 = vector.extract %slice3A_387[0] : f32 from vector<1xf32>
    %get3A_389 = arith.constant 1 : i32
    %get3A_390 = arith.index_cast %get3A_389 : i32 to index
    %get3A_391 = arith.constant 64 : index
    %get3A_392 = tpu.vector_load %arg6[%get3A_390, %get3A_391] {strides = array<i32>} : memref<8x256xf32, #tpu.memory_space<vmem>>, vector<1x16xf32>,
    %get3A_393 = vector.shape_cast %get3A_392 : vector<1x16xf32> to vector<16xf32>
    %mul3A_394 = vector.broadcast %squeeze3A_388 : f32 to vector<16xf32>
    %mul3A_395 = arith.mulf %mul3A_394, %get3A_393 : vector<16xf32>
    %add3A_396 = arith.addf %add3A_386, %mul3A_395 : vector<16xf32>
    %slice3A_397 = vector.extract_strided_slice %get3A_34 {offsets = [2], sizes = [1], strides = [1]} : vector<16xf32> to vector<1xf32>
    %squeeze3A_398 = vector.extract %slice3A_397[0] : f32 from vector<1xf32>
    %get3A_399 = arith.constant 2 : i32
    %get3A_400 = arith.index_cast %get3A_399 : i32 to index
    %get3A_401 = arith.constant 64 : index
    %get3A_402 = tpu.vector_load %arg6[%get3A_400, %get3A_401] {strides = array<i32>} : memref<8x256xf32, #tpu.memory_space<vmem>>, vector<1x16xf32>,
    %get3A_403 = vector.shape_cast %get3A_402 : vector<1x16xf32> to vector<16xf32>
    %mul3A_404 = vector.broadcast %squeeze3A_398 : f32 to vector<16xf32>
    %mul3A_405 = arith.mulf %mul3A_404, %get3A_403 : vector<16xf32>
    %add3A_406 = arith.addf %add3A_396, %mul3A_405 : vector<16xf32>
    %slice3A_407 = vector.extract_strided_slice %get3A_34 {offsets = [3], sizes = [1], strides = [1]} : vector<16xf32> to vector<1xf32>
    %squeeze3A_408 = vector.extract %slice3A_407[0] : f32 from vector<1xf32>
    %get3A_409 = arith.constant 3 : i32
    %get3A_410 = arith.index_cast %get3A_409 : i32 to index
    %get3A_411 = arith.constant 64 : index
    %get3A_412 = tpu.vector_load %arg6[%get3A_410, %get3A_411] {strides = array<i32>} : memref<8x256xf32, #tpu.memory_space<vmem>>, vector<1x16xf32>,
    %get3A_413 = vector.shape_cast %get3A_412 : vector<1x16xf32> to vector<16xf32>
    %mul3A_414 = vector.broadcast %squeeze3A_408 : f32 to vector<16xf32>
    %mul3A_415 = arith.mulf %mul3A_414, %get3A_413 : vector<16xf32>
    %add3A_416 = arith.addf %add3A_406, %mul3A_415 : vector<16xf32>
    %slice3A_417 = vector.extract_strided_slice %get3A_34 {offsets = [4], sizes = [1], strides = [1]} : vector<16xf32> to vector<1xf32>
    %squeeze3A_418 = vector.extract %slice3A_417[0] : f32 from vector<1xf32>
    %get3A_419 = arith.constant 4 : i32
    %get3A_420 = arith.index_cast %get3A_419 : i32 to index
    %get3A_421 = arith.constant 64 : index
    %get3A_422 = tpu.vector_load %arg6[%get3A_420, %get3A_421] {strides = array<i32>} : memref<8x256xf32, #tpu.memory_space<vmem>>, vector<1x16xf32>,
    %get3A_423 = vector.shape_cast %get3A_422 : vector<1x16xf32> to vector<16xf32>
    %mul3A_424 = vector.broadcast %squeeze3A_418 : f32 to vector<16xf32>
    %mul3A_425 = arith.mulf %mul3A_424, %get3A_423 : vector<16xf32>
    %add3A_426 = arith.addf %add3A_416, %mul3A_425 : vector<16xf32>
    %slice3A_427 = vector.extract_strided_slice %get3A_34 {offsets = [5], sizes = [1], strides = [1]} : vector<16xf32> to vector<1xf32>
    %squeeze3A_428 = vector.extract %slice3A_427[0] : f32 from vector<1xf32>
    %get3A_429 = arith.constant 5 : i32
    %get3A_430 = arith.index_cast %get3A_429 : i32 to index
    %get3A_431 = arith.constant 64 : index
    %get3A_432 = tpu.vector_load %arg6[%get3A_430, %get3A_431] {strides = array<i32>} : memref<8x256xf32, #tpu.memory_space<vmem>>, vector<1x16xf32>,
    %get3A_433 = vector.shape_cast %get3A_432 : vector<1x16xf32> to vector<16xf32>
    %mul3A_434 = vector.broadcast %squeeze3A_428 : f32 to vector<16xf32>
    %mul3A_435 = arith.mulf %mul3A_434, %get3A_433 : vector<16xf32>
    %add3A_436 = arith.addf %add3A_426, %mul3A_435 : vector<16xf32>
    %slice3A_437 = vector.extract_strided_slice %get3A_34 {offsets = [6], sizes = [1], strides = [1]} : vector<16xf32> to vector<1xf32>
    %squeeze3A_438 = vector.extract %slice3A_437[0] : f32 from vector<1xf32>
    %get3A_439 = arith.constant 6 : i32
    %get3A_440 = arith.index_cast %get3A_439 : i32 to index
    %get3A_441 = arith.constant 64 : index
    %get3A_442 = tpu.vector_load %arg6[%get3A_440, %get3A_441] {strides = array<i32>} : memref<8x256xf32, #tpu.memory_space<vmem>>, vector<1x16xf32>,
    %get3A_443 = vector.shape_cast %get3A_442 : vector<1x16xf32> to vector<16xf32>
    %mul3A_444 = vector.broadcast %squeeze3A_438 : f32 to vector<16xf32>
    %mul3A_445 = arith.mulf %mul3A_444, %get3A_443 : vector<16xf32>
    %add3A_446 = arith.addf %add3A_436, %mul3A_445 : vector<16xf32>
    %slice3A_447 = vector.extract_strided_slice %get3A_34 {offsets = [7], sizes = [1], strides = [1]} : vector<16xf32> to vector<1xf32>
    %squeeze3A_448 = vector.extract %slice3A_447[0] : f32 from vector<1xf32>
    %get3A_449 = arith.constant 7 : i32
    %get3A_450 = arith.index_cast %get3A_449 : i32 to index
    %get3A_451 = arith.constant 64 : index
    %get3A_452 = tpu.vector_load %arg6[%get3A_450, %get3A_451] {strides = array<i32>} : memref<8x256xf32, #tpu.memory_space<vmem>>, vector<1x16xf32>,
    %get3A_453 = vector.shape_cast %get3A_452 : vector<1x16xf32> to vector<16xf32>
    %mul3A_454 = vector.broadcast %squeeze3A_448 : f32 to vector<16xf32>
    %mul3A_455 = arith.mulf %mul3A_454, %get3A_453 : vector<16xf32>
    %add3A_456 = arith.addf %add3A_446, %mul3A_455 : vector<16xf32>
    %swap3A_457 = arith.constant 64 : index
    %swap3A_458 = tpu.vector_load %arg7[%swap3A_457] {strides = array<i32>} : memref<256xf32, #tpu.memory_space<vmem>>, vector<16xf32>,
    %swap3A_459 = vector.shape_cast %swap3A_458 : vector<16xf32> to vector<16xf32>
    %swap3A_460 = vector.shape_cast %add3A_456 : vector<16xf32> to vector<16xf32>
    tpu.vector_store %arg7[%swap3A_457], %swap3A_460 {strides = array<i32>} : memref<256xf32, #tpu.memory_space<vmem>>, vector<16xf32>,
    %broadcast_in_dim3A_461 = arith.constant 0.000000e+00 : f32
    %broadcast_in_dim3A_462 = vector.broadcast %broadcast_in_dim3A_461 : f32 to vector<16xf32>
    %slice3A_463 = vector.extract_strided_slice %get3A_34 {offsets = [0], sizes = [1], strides = [1]} : vector<16xf32> to vector<1xf32>
    %squeeze3A_464 = vector.extract %slice3A_463[0] : f32 from vector<1xf32>
    %get3A_465 = arith.constant 0 : i32
    %get3A_466 = arith.index_cast %get3A_465 : i32 to index
    %get3A_467 = arith.constant 80 : index
    %get3A_468 = tpu.vector_load %arg6[%get3A_466, %get3A_467] {strides = array<i32>} : memref<8x256xf32, #tpu.memory_space<vmem>>, vector<1x16xf32>,
    %get3A_469 = vector.shape_cast %get3A_468 : vector<1x16xf32> to vector<16xf32>
    %mul3A_470 = vector.broadcast %squeeze3A_464 : f32 to vector<16xf32>
    %mul3A_471 = arith.mulf %mul3A_470, %get3A_469 : vector<16xf32>
    %add3A_472 = arith.addf %broadcast_in_dim3A_462, %mul3A_471 : vector<16xf32>
    %slice3A_473 = vector.extract_strided_slice %get3A_34 {offsets = [1], sizes = [1], strides = [1]} : vector<16xf32> to vector<1xf32>
    %squeeze3A_474 = vector.extract %slice3A_473[0] : f32 from vector<1xf32>
    %get3A_475 = arith.constant 1 : i32
    %get3A_476 = arith.index_cast %get3A_475 : i32 to index
    %get3A_477 = arith.constant 80 : index
    %get3A_478 = tpu.vector_load %arg6[%get3A_476, %get3A_477] {strides = array<i32>} : memref<8x256xf32, #tpu.memory_space<vmem>>, vector<1x16xf32>,
    %get3A_479 = vector.shape_cast %get3A_478 : vector<1x16xf32> to vector<16xf32>
    %mul3A_480 = vector.broadcast %squeeze3A_474 : f32 to vector<16xf32>
    %mul3A_481 = arith.mulf %mul3A_480, %get3A_479 : vector<16xf32>
    %add3A_482 = arith.addf %add3A_472, %mul3A_481 : vector<16xf32>
    %slice3A_483 = vector.extract_strided_slice %get3A_34 {offsets = [2], sizes = [1], strides = [1]} : vector<16xf32> to vector<1xf32>
    %squeeze3A_484 = vector.extract %slice3A_483[0] : f32 from vector<1xf32>
    %get3A_485 = arith.constant 2 : i32
    %get3A_486 = arith.index_cast %get3A_485 : i32 to index
    %get3A_487 = arith.constant 80 : index
    %get3A_488 = tpu.vector_load %arg6[%get3A_486, %get3A_487] {strides = array<i32>} : memref<8x256xf32, #tpu.memory_space<vmem>>, vector<1x16xf32>,
    %get3A_489 = vector.shape_cast %get3A_488 : vector<1x16xf32> to vector<16xf32>
    %mul3A_490 = vector.broadcast %squeeze3A_484 : f32 to vector<16xf32>
    %mul3A_491 = arith.mulf %mul3A_490, %get3A_489 : vector<16xf32>
    %add3A_492 = arith.addf %add3A_482, %mul3A_491 : vector<16xf32>
    %slice3A_493 = vector.extract_strided_slice %get3A_34 {offsets = [3], sizes = [1], strides = [1]} : vector<16xf32> to vector<1xf32>
    %squeeze3A_494 = vector.extract %slice3A_493[0] : f32 from vector<1xf32>
    %get3A_495 = arith.constant 3 : i32
    %get3A_496 = arith.index_cast %get3A_495 : i32 to index
    %get3A_497 = arith.constant 80 : index
    %get3A_498 = tpu.vector_load %arg6[%get3A_496, %get3A_497] {strides = array<i32>} : memref<8x256xf32, #tpu.memory_space<vmem>>, vector<1x16xf32>,
    %get3A_499 = vector.shape_cast %get3A_498 : vector<1x16xf32> to vector<16xf32>
    %mul3A_500 = vector.broadcast %squeeze3A_494 : f32 to vector<16xf32>
    %mul3A_501 = arith.mulf %mul3A_500, %get3A_499 : vector<16xf32>
    %add3A_502 = arith.addf %add3A_492, %mul3A_501 : vector<16xf32>
    %slice3A_503 = vector.extract_strided_slice %get3A_34 {offsets = [4], sizes = [1], strides = [1]} : vector<16xf32> to vector<1xf32>
    %squeeze3A_504 = vector.extract %slice3A_503[0] : f32 from vector<1xf32>
    %get3A_505 = arith.constant 4 : i32
    %get3A_506 = arith.index_cast %get3A_505 : i32 to index
    %get3A_507 = arith.constant 80 : index
    %get3A_508 = tpu.vector_load %arg6[%get3A_506, %get3A_507] {strides = array<i32>} : memref<8x256xf32, #tpu.memory_space<vmem>>, vector<1x16xf32>,
    %get3A_509 = vector.shape_cast %get3A_508 : vector<1x16xf32> to vector<16xf32>
    %mul3A_510 = vector.broadcast %squeeze3A_504 : f32 to vector<16xf32>
    %mul3A_511 = arith.mulf %mul3A_510, %get3A_509 : vector<16xf32>
    %add3A_512 = arith.addf %add3A_502, %mul3A_511 : vector<16xf32>
    %slice3A_513 = vector.extract_strided_slice %get3A_34 {offsets = [5], sizes = [1], strides = [1]} : vector<16xf32> to vector<1xf32>
    %squeeze3A_514 = vector.extract %slice3A_513[0] : f32 from vector<1xf32>
    %get3A_515 = arith.constant 5 : i32
    %get3A_516 = arith.index_cast %get3A_515 : i32 to index
    %get3A_517 = arith.constant 80 : index
    %get3A_518 = tpu.vector_load %arg6[%get3A_516, %get3A_517] {strides = array<i32>} : memref<8x256xf32, #tpu.memory_space<vmem>>, vector<1x16xf32>,
    %get3A_519 = vector.shape_cast %get3A_518 : vector<1x16xf32> to vector<16xf32>
    %mul3A_520 = vector.broadcast %squeeze3A_514 : f32 to vector<16xf32>
    %mul3A_521 = arith.mulf %mul3A_520, %get3A_519 : vector<16xf32>
    %add3A_522 = arith.addf %add3A_512, %mul3A_521 : vector<16xf32>
    %slice3A_523 = vector.extract_strided_slice %get3A_34 {offsets = [6], sizes = [1], strides = [1]} : vector<16xf32> to vector<1xf32>
    %squeeze3A_524 = vector.extract %slice3A_523[0] : f32 from vector<1xf32>
    %get3A_525 = arith.constant 6 : i32
    %get3A_526 = arith.index_cast %get3A_525 : i32 to index
    %get3A_527 = arith.constant 80 : index
    %get3A_528 = tpu.vector_load %arg6[%get3A_526, %get3A_527] {strides = array<i32>} : memref<8x256xf32, #tpu.memory_space<vmem>>, vector<1x16xf32>,
    %get3A_529 = vector.shape_cast %get3A_528 : vector<1x16xf32> to vector<16xf32>
    %mul3A_530 = vector.broadcast %squeeze3A_524 : f32 to vector<16xf32>
    %mul3A_531 = arith.mulf %mul3A_530, %get3A_529 : vector<16xf32>
    %add3A_532 = arith.addf %add3A_522, %mul3A_531 : vector<16xf32>
    %slice3A_533 = vector.extract_strided_slice %get3A_34 {offsets = [7], sizes = [1], strides = [1]} : vector<16xf32> to vector<1xf32>
    %squeeze3A_534 = vector.extract %slice3A_533[0] : f32 from vector<1xf32>
    %get3A_535 = arith.constant 7 : i32
    %get3A_536 = arith.index_cast %get3A_535 : i32 to index
    %get3A_537 = arith.constant 80 : index
    %get3A_538 = tpu.vector_load %arg6[%get3A_536, %get3A_537] {strides = array<i32>} : memref<8x256xf32, #tpu.memory_space<vmem>>, vector<1x16xf32>,
    %get3A_539 = vector.shape_cast %get3A_538 : vector<1x16xf32> to vector<16xf32>
    %mul3A_540 = vector.broadcast %squeeze3A_534 : f32 to vector<16xf32>
    %mul3A_541 = arith.mulf %mul3A_540, %get3A_539 : vector<16xf32>
    %add3A_542 = arith.addf %add3A_532, %mul3A_541 : vector<16xf32>
    %swap3A_543 = arith.constant 80 : index
    %swap3A_544 = tpu.vector_load %arg7[%swap3A_543] {strides = array<i32>} : memref<256xf32, #tpu.memory_space<vmem>>, vector<16xf32>,
    %swap3A_545 = vector.shape_cast %swap3A_544 : vector<16xf32> to vector<16xf32>
    %swap3A_546 = vector.shape_cast %add3A_542 : vector<16xf32> to vector<16xf32>
    tpu.vector_store %arg7[%swap3A_543], %swap3A_546 {strides = array<i32>} : memref<256xf32, #tpu.memory_space<vmem>>, vector<16xf32>,
    %broadcast_in_dim3A_547 = arith.constant 0.000000e+00 : f32
    %broadcast_in_dim3A_548 = vector.broadcast %broadcast_in_dim3A_547 : f32 to vector<16xf32>
    %slice3A_549 = vector.extract_strided_slice %get3A_34 {offsets = [0], sizes = [1], strides = [1]} : vector<16xf32> to vector<1xf32>
    %squeeze3A_550 = vector.extract %slice3A_549[0] : f32 from vector<1xf32>
    %get3A_551 = arith.constant 0 : i32
    %get3A_552 = arith.index_cast %get3A_551 : i32 to index
    %get3A_553 = arith.constant 96 : index
    %get3A_554 = tpu.vector_load %arg6[%get3A_552, %get3A_553] {strides = array<i32>} : memref<8x256xf32, #tpu.memory_space<vmem>>, vector<1x16xf32>,
    %get3A_555 = vector.shape_cast %get3A_554 : vector<1x16xf32> to vector<16xf32>
    %mul3A_556 = vector.broadcast %squeeze3A_550 : f32 to vector<16xf32>
    %mul3A_557 = arith.mulf %mul3A_556, %get3A_555 : vector<16xf32>
    %add3A_558 = arith.addf %broadcast_in_dim3A_548, %mul3A_557 : vector<16xf32>
    %slice3A_559 = vector.extract_strided_slice %get3A_34 {offsets = [1], sizes = [1], strides = [1]} : vector<16xf32> to vector<1xf32>
    %squeeze3A_560 = vector.extract %slice3A_559[0] : f32 from vector<1xf32>
    %get3A_561 = arith.constant 1 : i32
    %get3A_562 = arith.index_cast %get3A_561 : i32 to index
    %get3A_563 = arith.constant 96 : index
    %get3A_564 = tpu.vector_load %arg6[%get3A_562, %get3A_563] {strides = array<i32>} : memref<8x256xf32, #tpu.memory_space<vmem>>, vector<1x16xf32>,
    %get3A_565 = vector.shape_cast %get3A_564 : vector<1x16xf32> to vector<16xf32>
    %mul3A_566 = vector.broadcast %squeeze3A_560 : f32 to vector<16xf32>
    %mul3A_567 = arith.mulf %mul3A_566, %get3A_565 : vector<16xf32>
    %add3A_568 = arith.addf %add3A_558, %mul3A_567 : vector<16xf32>
    %slice3A_569 = vector.extract_strided_slice %get3A_34 {offsets = [2], sizes = [1], strides = [1]} : vector<16xf32> to vector<1xf32>
    %squeeze3A_570 = vector.extract %slice3A_569[0] : f32 from vector<1xf32>
    %get3A_571 = arith.constant 2 : i32
    %get3A_572 = arith.index_cast %get3A_571 : i32 to index
    %get3A_573 = arith.constant 96 : index
    %get3A_574 = tpu.vector_load %arg6[%get3A_572, %get3A_573] {strides = array<i32>} : memref<8x256xf32, #tpu.memory_space<vmem>>, vector<1x16xf32>,
    %get3A_575 = vector.shape_cast %get3A_574 : vector<1x16xf32> to vector<16xf32>
    %mul3A_576 = vector.broadcast %squeeze3A_570 : f32 to vector<16xf32>
    %mul3A_577 = arith.mulf %mul3A_576, %get3A_575 : vector<16xf32>
    %add3A_578 = arith.addf %add3A_568, %mul3A_577 : vector<16xf32>
    %slice3A_579 = vector.extract_strided_slice %get3A_34 {offsets = [3], sizes = [1], strides = [1]} : vector<16xf32> to vector<1xf32>
    %squeeze3A_580 = vector.extract %slice3A_579[0] : f32 from vector<1xf32>
    %get3A_581 = arith.constant 3 : i32
    %get3A_582 = arith.index_cast %get3A_581 : i32 to index
    %get3A_583 = arith.constant 96 : index
    %get3A_584 = tpu.vector_load %arg6[%get3A_582, %get3A_583] {strides = array<i32>} : memref<8x256xf32, #tpu.memory_space<vmem>>, vector<1x16xf32>,
    %get3A_585 = vector.shape_cast %get3A_584 : vector<1x16xf32> to vector<16xf32>
    %mul3A_586 = vector.broadcast %squeeze3A_580 : f32 to vector<16xf32>
    %mul3A_587 = arith.mulf %mul3A_586, %get3A_585 : vector<16xf32>
    %add3A_588 = arith.addf %add3A_578, %mul3A_587 : vector<16xf32>
    %slice3A_589 = vector.extract_strided_slice %get3A_34 {offsets = [4], sizes = [1], strides = [1]} : vector<16xf32> to vector<1xf32>
    %squeeze3A_590 = vector.extract %slice3A_589[0] : f32 from vector<1xf32>
    %get3A_591 = arith.constant 4 : i32
    %get3A_592 = arith.index_cast %get3A_591 : i32 to index
    %get3A_593 = arith.constant 96 : index
    %get3A_594 = tpu.vector_load %arg6[%get3A_592, %get3A_593] {strides = array<i32>} : memref<8x256xf32, #tpu.memory_space<vmem>>, vector<1x16xf32>,
    %get3A_595 = vector.shape_cast %get3A_594 : vector<1x16xf32> to vector<16xf32>
    %mul3A_596 = vector.broadcast %squeeze3A_590 : f32 to vector<16xf32>
    %mul3A_597 = arith.mulf %mul3A_596, %get3A_595 : vector<16xf32>
    %add3A_598 = arith.addf %add3A_588, %mul3A_597 : vector<16xf32>
    %slice3A_599 = vector.extract_strided_slice %get3A_34 {offsets = [5], sizes = [1], strides = [1]} : vector<16xf32> to vector<1xf32>
    %squeeze3A_600 = vector.extract %slice3A_599[0] : f32 from vector<1xf32>
    %get3A_601 = arith.constant 5 : i32
    %get3A_602 = arith.index_cast %get3A_601 : i32 to index
    %get3A_603 = arith.constant 96 : index
    %get3A_604 = tpu.vector_load %arg6[%get3A_602, %get3A_603] {strides = array<i32>} : memref<8x256xf32, #tpu.memory_space<vmem>>, vector<1x16xf32>,
    %get3A_605 = vector.shape_cast %get3A_604 : vector<1x16xf32> to vector<16xf32>
    %mul3A_606 = vector.broadcast %squeeze3A_600 : f32 to vector<16xf32>
    %mul3A_607 = arith.mulf %mul3A_606, %get3A_605 : vector<16xf32>
    %add3A_608 = arith.addf %add3A_598, %mul3A_607 : vector<16xf32>
    %slice3A_609 = vector.extract_strided_slice %get3A_34 {offsets = [6], sizes = [1], strides = [1]} : vector<16xf32> to vector<1xf32>
    %squeeze3A_610 = vector.extract %slice3A_609[0] : f32 from vector<1xf32>
    %get3A_611 = arith.constant 6 : i32
    %get3A_612 = arith.index_cast %get3A_611 : i32 to index
    %get3A_613 = arith.constant 96 : index
    %get3A_614 = tpu.vector_load %arg6[%get3A_612, %get3A_613] {strides = array<i32>} : memref<8x256xf32, #tpu.memory_space<vmem>>, vector<1x16xf32>,
    %get3A_615 = vector.shape_cast %get3A_614 : vector<1x16xf32> to vector<16xf32>
    %mul3A_616 = vector.broadcast %squeeze3A_610 : f32 to vector<16xf32>
    %mul3A_617 = arith.mulf %mul3A_616, %get3A_615 : vector<16xf32>
    %add3A_618 = arith.addf %add3A_608, %mul3A_617 : vector<16xf32>
    %slice3A_619 = vector.extract_strided_slice %get3A_34 {offsets = [7], sizes = [1], strides = [1]} : vector<16xf32> to vector<1xf32>
    %squeeze3A_620 = vector.extract %slice3A_619[0] : f32 from vector<1xf32>
    %get3A_621 = arith.constant 7 : i32
    %get3A_622 = arith.index_cast %get3A_621 : i32 to index
    %get3A_623 = arith.constant 96 : index
    %get3A_624 = tpu.vector_load %arg6[%get3A_622, %get3A_623] {strides = array<i32>} : memref<8x256xf32, #tpu.memory_space<vmem>>, vector<1x16xf32>,
    %get3A_625 = vector.shape_cast %get3A_624 : vector<1x16xf32> to vector<16xf32>
    %mul3A_626 = vector.broadcast %squeeze3A_620 : f32 to vector<16xf32>
    %mul3A_627 = arith.mulf %mul3A_626, %get3A_625 : vector<16xf32>
    %add3A_628 = arith.addf %add3A_618, %mul3A_627 : vector<16xf32>
    %swap3A_629 = arith.constant 96 : index
    %swap3A_630 = tpu.vector_load %arg7[%swap3A_629] {strides = array<i32>} : memref<256xf32, #tpu.memory_space<vmem>>, vector<16xf32>,
    %swap3A_631 = vector.shape_cast %swap3A_630 : vector<16xf32> to vector<16xf32>
    %swap3A_632 = vector.shape_cast %add3A_628 : vector<16xf32> to vector<16xf32>
    tpu.vector_store %arg7[%swap3A_629], %swap3A_632 {strides = array<i32>} : memref<256xf32, #tpu.memory_space<vmem>>, vector<16xf32>,
    %broadcast_in_dim3A_633 = arith.constant 0.000000e+00 : f32
    %broadcast_in_dim3A_634 = vector.broadcast %broadcast_in_dim3A_633 : f32 to vector<16xf32>
    %slice3A_635 = vector.extract_strided_slice %get3A_34 {offsets = [0], sizes = [1], strides = [1]} : vector<16xf32> to vector<1xf32>
    %squeeze3A_636 = vector.extract %slice3A_635[0] : f32 from vector<1xf32>
    %get3A_637 = arith.constant 0 : i32
    %get3A_638 = arith.index_cast %get3A_637 : i32 to index
    %get3A_639 = arith.constant 112 : index
    %get3A_640 = tpu.vector_load %arg6[%get3A_638, %get3A_639] {strides = array<i32>} : memref<8x256xf32, #tpu.memory_space<vmem>>, vector<1x16xf32>,
    %get3A_641 = vector.shape_cast %get3A_640 : vector<1x16xf32> to vector<16xf32>
    %mul3A_642 = vector.broadcast %squeeze3A_636 : f32 to vector<16xf32>
    %mul3A_643 = arith.mulf %mul3A_642, %get3A_641 : vector<16xf32>
    %add3A_644 = arith.addf %broadcast_in_dim3A_634, %mul3A_643 : vector<16xf32>
    %slice3A_645 = vector.extract_strided_slice %get3A_34 {offsets = [1], sizes = [1], strides = [1]} : vector<16xf32> to vector<1xf32>
    %squeeze3A_646 = vector.extract %slice3A_645[0] : f32 from vector<1xf32>
    %get3A_647 = arith.constant 1 : i32
    %get3A_648 = arith.index_cast %get3A_647 : i32 to index
    %get3A_649 = arith.constant 112 : index
    %get3A_650 = tpu.vector_load %arg6[%get3A_648, %get3A_649] {strides = array<i32>} : memref<8x256xf32, #tpu.memory_space<vmem>>, vector<1x16xf32>,
    %get3A_651 = vector.shape_cast %get3A_650 : vector<1x16xf32> to vector<16xf32>
    %mul3A_652 = vector.broadcast %squeeze3A_646 : f32 to vector<16xf32>
    %mul3A_653 = arith.mulf %mul3A_652, %get3A_651 : vector<16xf32>
    %add3A_654 = arith.addf %add3A_644, %mul3A_653 : vector<16xf32>
    %slice3A_655 = vector.extract_strided_slice %get3A_34 {offsets = [2], sizes = [1], strides = [1]} : vector<16xf32> to vector<1xf32>
    %squeeze3A_656 = vector.extract %slice3A_655[0] : f32 from vector<1xf32>
    %get3A_657 = arith.constant 2 : i32
    %get3A_658 = arith.index_cast %get3A_657 : i32 to index
    %get3A_659 = arith.constant 112 : index
    %get3A_660 = tpu.vector_load %arg6[%get3A_658, %get3A_659] {strides = array<i32>} : memref<8x256xf32, #tpu.memory_space<vmem>>, vector<1x16xf32>,
    %get3A_661 = vector.shape_cast %get3A_660 : vector<1x16xf32> to vector<16xf32>
    %mul3A_662 = vector.broadcast %squeeze3A_656 : f32 to vector<16xf32>
    %mul3A_663 = arith.mulf %mul3A_662, %get3A_661 : vector<16xf32>
    %add3A_664 = arith.addf %add3A_654, %mul3A_663 : vector<16xf32>
    %slice3A_665 = vector.extract_strided_slice %get3A_34 {offsets = [3], sizes = [1], strides = [1]} : vector<16xf32> to vector<1xf32>
    %squeeze3A_666 = vector.extract %slice3A_665[0] : f32 from vector<1xf32>
    %get3A_667 = arith.constant 3 : i32
    %get3A_668 = arith.index_cast %get3A_667 : i32 to index
    %get3A_669 = arith.constant 112 : index
    %get3A_670 = tpu.vector_load %arg6[%get3A_668, %get3A_669] {strides = array<i32>} : memref<8x256xf32, #tpu.memory_space<vmem>>, vector<1x16xf32>,
    %get3A_671 = vector.shape_cast %get3A_670 : vector<1x16xf32> to vector<16xf32>
    %mul3A_672 = vector.broadcast %squeeze3A_666 : f32 to vector<16xf32>
    %mul3A_673 = arith.mulf %mul3A_672, %get3A_671 : vector<16xf32>
    %add3A_674 = arith.addf %add3A_664, %mul3A_673 : vector<16xf32>
    %slice3A_675 = vector.extract_strided_slice %get3A_34 {offsets = [4], sizes = [1], strides = [1]} : vector<16xf32> to vector<1xf32>
    %squeeze3A_676 = vector.extract %slice3A_675[0] : f32 from vector<1xf32>
    %get3A_677 = arith.constant 4 : i32
    %get3A_678 = arith.index_cast %get3A_677 : i32 to index
    %get3A_679 = arith.constant 112 : index
    %get3A_680 = tpu.vector_load %arg6[%get3A_678, %get3A_679] {strides = array<i32>} : memref<8x256xf32, #tpu.memory_space<vmem>>, vector<1x16xf32>,
    %get3A_681 = vector.shape_cast %get3A_680 : vector<1x16xf32> to vector<16xf32>
    %mul3A_682 = vector.broadcast %squeeze3A_676 : f32 to vector<16xf32>
    %mul3A_683 = arith.mulf %mul3A_682, %get3A_681 : vector<16xf32>
    %add3A_684 = arith.addf %add3A_674, %mul3A_683 : vector<16xf32>
    %slice3A_685 = vector.extract_strided_slice %get3A_34 {offsets = [5], sizes = [1], strides = [1]} : vector<16xf32> to vector<1xf32>
    %squeeze3A_686 = vector.extract %slice3A_685[0] : f32 from vector<1xf32>
    %get3A_687 = arith.constant 5 : i32
    %get3A_688 = arith.index_cast %get3A_687 : i32 to index
    %get3A_689 = arith.constant 112 : index
    %get3A_690 = tpu.vector_load %arg6[%get3A_688, %get3A_689] {strides = array<i32>} : memref<8x256xf32, #tpu.memory_space<vmem>>, vector<1x16xf32>,
    %get3A_691 = vector.shape_cast %get3A_690 : vector<1x16xf32> to vector<16xf32>
    %mul3A_692 = vector.broadcast %squeeze3A_686 : f32 to vector<16xf32>
    %mul3A_693 = arith.mulf %mul3A_692, %get3A_691 : vector<16xf32>
    %add3A_694 = arith.addf %add3A_684, %mul3A_693 : vector<16xf32>
    %slice3A_695 = vector.extract_strided_slice %get3A_34 {offsets = [6], sizes = [1], strides = [1]} : vector<16xf32> to vector<1xf32>
    %squeeze3A_696 = vector.extract %slice3A_695[0] : f32 from vector<1xf32>
    %get3A_697 = arith.constant 6 : i32
    %get3A_698 = arith.index_cast %get3A_697 : i32 to index
    %get3A_699 = arith.constant 112 : index
    %get3A_700 = tpu.vector_load %arg6[%get3A_698, %get3A_699] {strides = array<i32>} : memref<8x256xf32, #tpu.memory_space<vmem>>, vector<1x16xf32>,
    %get3A_701 = vector.shape_cast %get3A_700 : vector<1x16xf32> to vector<16xf32>
    %mul3A_702 = vector.broadcast %squeeze3A_696 : f32 to vector<16xf32>
    %mul3A_703 = arith.mulf %mul3A_702, %get3A_701 : vector<16xf32>
    %add3A_704 = arith.addf %add3A_694, %mul3A_703 : vector<16xf32>
    %slice3A_705 = vector.extract_strided_slice %get3A_34 {offsets = [7], sizes = [1], strides = [1]} : vector<16xf32> to vector<1xf32>
    %squeeze3A_706 = vector.extract %slice3A_705[0] : f32 from vector<1xf32>
    %get3A_707 = arith.constant 7 : i32
    %get3A_708 = arith.index_cast %get3A_707 : i32 to index
    %get3A_709 = arith.constant 112 : index
    %get3A_710 = tpu.vector_load %arg6[%get3A_708, %get3A_709] {strides = array<i32>} : memref<8x256xf32, #tpu.memory_space<vmem>>, vector<1x16xf32>,
    %get3A_711 = vector.shape_cast %get3A_710 : vector<1x16xf32> to vector<16xf32>
    %mul3A_712 = vector.broadcast %squeeze3A_706 : f32 to vector<16xf32>
    %mul3A_713 = arith.mulf %mul3A_712, %get3A_711 : vector<16xf32>
    %add3A_714 = arith.addf %add3A_704, %mul3A_713 : vector<16xf32>
    %swap3A_715 = arith.constant 112 : index
    %swap3A_716 = tpu.vector_load %arg7[%swap3A_715] {strides = array<i32>} : memref<256xf32, #tpu.memory_space<vmem>>, vector<16xf32>,
    %swap3A_717 = vector.shape_cast %swap3A_716 : vector<16xf32> to vector<16xf32>
    %swap3A_718 = vector.shape_cast %add3A_714 : vector<16xf32> to vector<16xf32>
    tpu.vector_store %arg7[%swap3A_715], %swap3A_718 {strides = array<i32>} : memref<256xf32, #tpu.memory_space<vmem>>, vector<16xf32>,
    %broadcast_in_dim3A_719 = arith.constant 0.000000e+00 : f32
    %broadcast_in_dim3A_720 = vector.broadcast %broadcast_in_dim3A_719 : f32 to vector<16xf32>
    %slice3A_721 = vector.extract_strided_slice %get3A_34 {offsets = [0], sizes = [1], strides = [1]} : vector<16xf32> to vector<1xf32>
    %squeeze3A_722 = vector.extract %slice3A_721[0] : f32 from vector<1xf32>
    %get3A_723 = arith.constant 0 : i32
    %get3A_724 = arith.index_cast %get3A_723 : i32 to index
    %get3A_725 = arith.constant 128 : index
    %get3A_726 = tpu.vector_load %arg6[%get3A_724, %get3A_725] {strides = array<i32>} : memref<8x256xf32, #tpu.memory_space<vmem>>, vector<1x16xf32>,
    %get3A_727 = vector.shape_cast %get3A_726 : vector<1x16xf32> to vector<16xf32>
    %mul3A_728 = vector.broadcast %squeeze3A_722 : f32 to vector<16xf32>
    %mul3A_729 = arith.mulf %mul3A_728, %get3A_727 : vector<16xf32>
    %add3A_730 = arith.addf %broadcast_in_dim3A_720, %mul3A_729 : vector<16xf32>
    %slice3A_731 = vector.extract_strided_slice %get3A_34 {offsets = [1], sizes = [1], strides = [1]} : vector<16xf32> to vector<1xf32>
    %squeeze3A_732 = vector.extract %slice3A_731[0] : f32 from vector<1xf32>
    %get3A_733 = arith.constant 1 : i32
    %get3A_734 = arith.index_cast %get3A_733 : i32 to index
    %get3A_735 = arith.constant 128 : index
    %get3A_736 = tpu.vector_load %arg6[%get3A_734, %get3A_735] {strides = array<i32>} : memref<8x256xf32, #tpu.memory_space<vmem>>, vector<1x16xf32>,
    %get3A_737 = vector.shape_cast %get3A_736 : vector<1x16xf32> to vector<16xf32>
    %mul3A_738 = vector.broadcast %squeeze3A_732 : f32 to vector<16xf32>
    %mul3A_739 = arith.mulf %mul3A_738, %get3A_737 : vector<16xf32>
    %add3A_740 = arith.addf %add3A_730, %mul3A_739 : vector<16xf32>
    %slice3A_741 = vector.extract_strided_slice %get3A_34 {offsets = [2], sizes = [1], strides = [1]} : vector<16xf32> to vector<1xf32>
    %squeeze3A_742 = vector.extract %slice3A_741[0] : f32 from vector<1xf32>
    %get3A_743 = arith.constant 2 : i32
    %get3A_744 = arith.index_cast %get3A_743 : i32 to index
    %get3A_745 = arith.constant 128 : index
    %get3A_746 = tpu.vector_load %arg6[%get3A_744, %get3A_745] {strides = array<i32>} : memref<8x256xf32, #tpu.memory_space<vmem>>, vector<1x16xf32>,
    %get3A_747 = vector.shape_cast %get3A_746 : vector<1x16xf32> to vector<16xf32>
    %mul3A_748 = vector.broadcast %squeeze3A_742 : f32 to vector<16xf32>
    %mul3A_749 = arith.mulf %mul3A_748, %get3A_747 : vector<16xf32>
    %add3A_750 = arith.addf %add3A_740, %mul3A_749 : vector<16xf32>
    %slice3A_751 = vector.extract_strided_slice %get3A_34 {offsets = [3], sizes = [1], strides = [1]} : vector<16xf32> to vector<1xf32>
    %squeeze3A_752 = vector.extract %slice3A_751[0] : f32 from vector<1xf32>
    %get3A_753 = arith.constant 3 : i32
    %get3A_754 = arith.index_cast %get3A_753 : i32 to index
    %get3A_755 = arith.constant 128 : index
    %get3A_756 = tpu.vector_load %arg6[%get3A_754, %get3A_755] {strides = array<i32>} : memref<8x256xf32, #tpu.memory_space<vmem>>, vector<1x16xf32>,
    %get3A_757 = vector.shape_cast %get3A_756 : vector<1x16xf32> to vector<16xf32>
    %mul3A_758 = vector.broadcast %squeeze3A_752 : f32 to vector<16xf32>
    %mul3A_759 = arith.mulf %mul3A_758, %get3A_757 : vector<16xf32>
    %add3A_760 = arith.addf %add3A_750, %mul3A_759 : vector<16xf32>
    %slice3A_761 = vector.extract_strided_slice %get3A_34 {offsets = [4], sizes = [1], strides = [1]} : vector<16xf32> to vector<1xf32>
    %squeeze3A_762 = vector.extract %slice3A_761[0] : f32 from vector<1xf32>
    %get3A_763 = arith.constant 4 : i32
    %get3A_764 = arith.index_cast %get3A_763 : i32 to index
    %get3A_765 = arith.constant 128 : index
    %get3A_766 = tpu.vector_load %arg6[%get3A_764, %get3A_765] {strides = array<i32>} : memref<8x256xf32, #tpu.memory_space<vmem>>, vector<1x16xf32>,
    %get3A_767 = vector.shape_cast %get3A_766 : vector<1x16xf32> to vector<16xf32>
    %mul3A_768 = vector.broadcast %squeeze3A_762 : f32 to vector<16xf32>
    %mul3A_769 = arith.mulf %mul3A_768, %get3A_767 : vector<16xf32>
    %add3A_770 = arith.addf %add3A_760, %mul3A_769 : vector<16xf32>
    %slice3A_771 = vector.extract_strided_slice %get3A_34 {offsets = [5], sizes = [1], strides = [1]} : vector<16xf32> to vector<1xf32>
    %squeeze3A_772 = vector.extract %slice3A_771[0] : f32 from vector<1xf32>
    %get3A_773 = arith.constant 5 : i32
    %get3A_774 = arith.index_cast %get3A_773 : i32 to index
    %get3A_775 = arith.constant 128 : index
    %get3A_776 = tpu.vector_load %arg6[%get3A_774, %get3A_775] {strides = array<i32>} : memref<8x256xf32, #tpu.memory_space<vmem>>, vector<1x16xf32>,
    %get3A_777 = vector.shape_cast %get3A_776 : vector<1x16xf32> to vector<16xf32>
    %mul3A_778 = vector.broadcast %squeeze3A_772 : f32 to vector<16xf32>
    %mul3A_779 = arith.mulf %mul3A_778, %get3A_777 : vector<16xf32>
    %add3A_780 = arith.addf %add3A_770, %mul3A_779 : vector<16xf32>
    %slice3A_781 = vector.extract_strided_slice %get3A_34 {offsets = [6], sizes = [1], strides = [1]} : vector<16xf32> to vector<1xf32>
    %squeeze3A_782 = vector.extract %slice3A_781[0] : f32 from vector<1xf32>
    %get3A_783 = arith.constant 6 : i32
    %get3A_784 = arith.index_cast %get3A_783 : i32 to index
    %get3A_785 = arith.constant 128 : index
    %get3A_786 = tpu.vector_load %arg6[%get3A_784, %get3A_785] {strides = array<i32>} : memref<8x256xf32, #tpu.memory_space<vmem>>, vector<1x16xf32>,
    %get3A_787 = vector.shape_cast %get3A_786 : vector<1x16xf32> to vector<16xf32>
    %mul3A_788 = vector.broadcast %squeeze3A_782 : f32 to vector<16xf32>
    %mul3A_789 = arith.mulf %mul3A_788, %get3A_787 : vector<16xf32>
    %add3A_790 = arith.addf %add3A_780, %mul3A_789 : vector<16xf32>
    %slice3A_791 = vector.extract_strided_slice %get3A_34 {offsets = [7], sizes = [1], strides = [1]} : vector<16xf32> to vector<1xf32>
    %squeeze3A_792 = vector.extract %slice3A_791[0] : f32 from vector<1xf32>
    %get3A_793 = arith.constant 7 : i32
    %get3A_794 = arith.index_cast %get3A_793 : i32 to index
    %get3A_795 = arith.constant 128 : index
    %get3A_796 = tpu.vector_load %arg6[%get3A_794, %get3A_795] {strides = array<i32>} : memref<8x256xf32, #tpu.memory_space<vmem>>, vector<1x16xf32>,
    %get3A_797 = vector.shape_cast %get3A_796 : vector<1x16xf32> to vector<16xf32>
    %mul3A_798 = vector.broadcast %squeeze3A_792 : f32 to vector<16xf32>
    %mul3A_799 = arith.mulf %mul3A_798, %get3A_797 : vector<16xf32>
    %add3A_800 = arith.addf %add3A_790, %mul3A_799 : vector<16xf32>
    %swap3A_801 = arith.constant 128 : index
    %swap3A_802 = tpu.vector_load %arg7[%swap3A_801] {strides = array<i32>} : memref<256xf32, #tpu.memory_space<vmem>>, vector<16xf32>,
    %swap3A_803 = vector.shape_cast %swap3A_802 : vector<16xf32> to vector<16xf32>
    %swap3A_804 = vector.shape_cast %add3A_800 : vector<16xf32> to vector<16xf32>
    tpu.vector_store %arg7[%swap3A_801], %swap3A_804 {strides = array<i32>} : memref<256xf32, #tpu.memory_space<vmem>>, vector<16xf32>,
    %broadcast_in_dim3A_805 = arith.constant 0.000000e+00 : f32
    %broadcast_in_dim3A_806 = vector.broadcast %broadcast_in_dim3A_805 : f32 to vector<16xf32>
    %slice3A_807 = vector.extract_strided_slice %get3A_34 {offsets = [0], sizes = [1], strides = [1]} : vector<16xf32> to vector<1xf32>
    %squeeze3A_808 = vector.extract %slice3A_807[0] : f32 from vector<1xf32>
    %get3A_809 = arith.constant 0 : i32
    %get3A_810 = arith.index_cast %get3A_809 : i32 to index
    %get3A_811 = arith.constant 144 : index
    %get3A_812 = tpu.vector_load %arg6[%get3A_810, %get3A_811] {strides = array<i32>} : memref<8x256xf32, #tpu.memory_space<vmem>>, vector<1x16xf32>,
    %get3A_813 = vector.shape_cast %get3A_812 : vector<1x16xf32> to vector<16xf32>
    %mul3A_814 = vector.broadcast %squeeze3A_808 : f32 to vector<16xf32>
    %mul3A_815 = arith.mulf %mul3A_814, %get3A_813 : vector<16xf32>
    %add3A_816 = arith.addf %broadcast_in_dim3A_806, %mul3A_815 : vector<16xf32>
    %slice3A_817 = vector.extract_strided_slice %get3A_34 {offsets = [1], sizes = [1], strides = [1]} : vector<16xf32> to vector<1xf32>
    %squeeze3A_818 = vector.extract %slice3A_817[0] : f32 from vector<1xf32>
    %get3A_819 = arith.constant 1 : i32
    %get3A_820 = arith.index_cast %get3A_819 : i32 to index
    %get3A_821 = arith.constant 144 : index
    %get3A_822 = tpu.vector_load %arg6[%get3A_820, %get3A_821] {strides = array<i32>} : memref<8x256xf32, #tpu.memory_space<vmem>>, vector<1x16xf32>,
    %get3A_823 = vector.shape_cast %get3A_822 : vector<1x16xf32> to vector<16xf32>
    %mul3A_824 = vector.broadcast %squeeze3A_818 : f32 to vector<16xf32>
    %mul3A_825 = arith.mulf %mul3A_824, %get3A_823 : vector<16xf32>
    %add3A_826 = arith.addf %add3A_816, %mul3A_825 : vector<16xf32>
    %slice3A_827 = vector.extract_strided_slice %get3A_34 {offsets = [2], sizes = [1], strides = [1]} : vector<16xf32> to vector<1xf32>
    %squeeze3A_828 = vector.extract %slice3A_827[0] : f32 from vector<1xf32>
    %get3A_829 = arith.constant 2 : i32
    %get3A_830 = arith.index_cast %get3A_829 : i32 to index
    %get3A_831 = arith.constant 144 : index
    %get3A_832 = tpu.vector_load %arg6[%get3A_830, %get3A_831] {strides = array<i32>} : memref<8x256xf32, #tpu.memory_space<vmem>>, vector<1x16xf32>,
    %get3A_833 = vector.shape_cast %get3A_832 : vector<1x16xf32> to vector<16xf32>
    %mul3A_834 = vector.broadcast %squeeze3A_828 : f32 to vector<16xf32>
    %mul3A_835 = arith.mulf %mul3A_834, %get3A_833 : vector<16xf32>
    %add3A_836 = arith.addf %add3A_826, %mul3A_835 : vector<16xf32>
    %slice3A_837 = vector.extract_strided_slice %get3A_34 {offsets = [3], sizes = [1], strides = [1]} : vector<16xf32> to vector<1xf32>
    %squeeze3A_838 = vector.extract %slice3A_837[0] : f32 from vector<1xf32>
    %get3A_839 = arith.constant 3 : i32
    %get3A_840 = arith.index_cast %get3A_839 : i32 to index
    %get3A_841 = arith.constant 144 : index
    %get3A_842 = tpu.vector_load %arg6[%get3A_840, %get3A_841] {strides = array<i32>} : memref<8x256xf32, #tpu.memory_space<vmem>>, vector<1x16xf32>,
    %get3A_843 = vector.shape_cast %get3A_842 : vector<1x16xf32> to vector<16xf32>
    %mul3A_844 = vector.broadcast %squeeze3A_838 : f32 to vector<16xf32>
    %mul3A_845 = arith.mulf %mul3A_844, %get3A_843 : vector<16xf32>
    %add3A_846 = arith.addf %add3A_836, %mul3A_845 : vector<16xf32>
    %slice3A_847 = vector.extract_strided_slice %get3A_34 {offsets = [4], sizes = [1], strides = [1]} : vector<16xf32> to vector<1xf32>
    %squeeze3A_848 = vector.extract %slice3A_847[0] : f32 from vector<1xf32>
    %get3A_849 = arith.constant 4 : i32
    %get3A_850 = arith.index_cast %get3A_849 : i32 to index
    %get3A_851 = arith.constant 144 : index
    %get3A_852 = tpu.vector_load %arg6[%get3A_850, %get3A_851] {strides = array<i32>} : memref<8x256xf32, #tpu.memory_space<vmem>>, vector<1x16xf32>,
    %get3A_853 = vector.shape_cast %get3A_852 : vector<1x16xf32> to vector<16xf32>
    %mul3A_854 = vector.broadcast %squeeze3A_848 : f32 to vector<16xf32>
    %mul3A_855 = arith.mulf %mul3A_854, %get3A_853 : vector<16xf32>
    %add3A_856 = arith.addf %add3A_846, %mul3A_855 : vector<16xf32>
    %slice3A_857 = vector.extract_strided_slice %get3A_34 {offsets = [5], sizes = [1], strides = [1]} : vector<16xf32> to vector<1xf32>
    %squeeze3A_858 = vector.extract %slice3A_857[0] : f32 from vector<1xf32>
    %get3A_859 = arith.constant 5 : i32
    %get3A_860 = arith.index_cast %get3A_859 : i32 to index
    %get3A_861 = arith.constant 144 : index
    %get3A_862 = tpu.vector_load %arg6[%get3A_860, %get3A_861] {strides = array<i32>} : memref<8x256xf32, #tpu.memory_space<vmem>>, vector<1x16xf32>,
    %get3A_863 = vector.shape_cast %get3A_862 : vector<1x16xf32> to vector<16xf32>
    %mul3A_864 = vector.broadcast %squeeze3A_858 : f32 to vector<16xf32>
    %mul3A_865 = arith.mulf %mul3A_864, %get3A_863 : vector<16xf32>
    %add3A_866 = arith.addf %add3A_856, %mul3A_865 : vector<16xf32>
    %slice3A_867 = vector.extract_strided_slice %get3A_34 {offsets = [6], sizes = [1], strides = [1]} : vector<16xf32> to vector<1xf32>
    %squeeze3A_868 = vector.extract %slice3A_867[0] : f32 from vector<1xf32>
    %get3A_869 = arith.constant 6 : i32
    %get3A_870 = arith.index_cast %get3A_869 : i32 to index
    %get3A_871 = arith.constant 144 : index
    %get3A_872 = tpu.vector_load %arg6[%get3A_870, %get3A_871] {strides = array<i32>} : memref<8x256xf32, #tpu.memory_space<vmem>>, vector<1x16xf32>,
    %get3A_873 = vector.shape_cast %get3A_872 : vector<1x16xf32> to vector<16xf32>
    %mul3A_874 = vector.broadcast %squeeze3A_868 : f32 to vector<16xf32>
    %mul3A_875 = arith.mulf %mul3A_874, %get3A_873 : vector<16xf32>
    %add3A_876 = arith.addf %add3A_866, %mul3A_875 : vector<16xf32>
    %slice3A_877 = vector.extract_strided_slice %get3A_34 {offsets = [7], sizes = [1], strides = [1]} : vector<16xf32> to vector<1xf32>
    %squeeze3A_878 = vector.extract %slice3A_877[0] : f32 from vector<1xf32>
    %get3A_879 = arith.constant 7 : i32
    %get3A_880 = arith.index_cast %get3A_879 : i32 to index
    %get3A_881 = arith.constant 144 : index
    %get3A_882 = tpu.vector_load %arg6[%get3A_880, %get3A_881] {strides = array<i32>} : memref<8x256xf32, #tpu.memory_space<vmem>>, vector<1x16xf32>,
    %get3A_883 = vector.shape_cast %get3A_882 : vector<1x16xf32> to vector<16xf32>
    %mul3A_884 = vector.broadcast %squeeze3A_878 : f32 to vector<16xf32>
    %mul3A_885 = arith.mulf %mul3A_884, %get3A_883 : vector<16xf32>
    %add3A_886 = arith.addf %add3A_876, %mul3A_885 : vector<16xf32>
    %swap3A_887 = arith.constant 144 : index
    %swap3A_888 = tpu.vector_load %arg7[%swap3A_887] {strides = array<i32>} : memref<256xf32, #tpu.memory_space<vmem>>, vector<16xf32>,
    %swap3A_889 = vector.shape_cast %swap3A_888 : vector<16xf32> to vector<16xf32>
    %swap3A_890 = vector.shape_cast %add3A_886 : vector<16xf32> to vector<16xf32>
    tpu.vector_store %arg7[%swap3A_887], %swap3A_890 {strides = array<i32>} : memref<256xf32, #tpu.memory_space<vmem>>, vector<16xf32>,
    %broadcast_in_dim3A_891 = arith.constant 0.000000e+00 : f32
    %broadcast_in_dim3A_892 = vector.broadcast %broadcast_in_dim3A_891 : f32 to vector<16xf32>
    %slice3A_893 = vector.extract_strided_slice %get3A_34 {offsets = [0], sizes = [1], strides = [1]} : vector<16xf32> to vector<1xf32>
    %squeeze3A_894 = vector.extract %slice3A_893[0] : f32 from vector<1xf32>
    %get3A_895 = arith.constant 0 : i32
    %get3A_896 = arith.index_cast %get3A_895 : i32 to index
    %get3A_897 = arith.constant 160 : index
    %get3A_898 = tpu.vector_load %arg6[%get3A_896, %get3A_897] {strides = array<i32>} : memref<8x256xf32, #tpu.memory_space<vmem>>, vector<1x16xf32>,
    %get3A_899 = vector.shape_cast %get3A_898 : vector<1x16xf32> to vector<16xf32>
    %mul3A_900 = vector.broadcast %squeeze3A_894 : f32 to vector<16xf32>
    %mul3A_901 = arith.mulf %mul3A_900, %get3A_899 : vector<16xf32>
    %add3A_902 = arith.addf %broadcast_in_dim3A_892, %mul3A_901 : vector<16xf32>
    %slice3A_903 = vector.extract_strided_slice %get3A_34 {offsets = [1], sizes = [1], strides = [1]} : vector<16xf32> to vector<1xf32>
    %squeeze3A_904 = vector.extract %slice3A_903[0] : f32 from vector<1xf32>
    %get3A_905 = arith.constant 1 : i32
    %get3A_906 = arith.index_cast %get3A_905 : i32 to index
    %get3A_907 = arith.constant 160 : index
    %get3A_908 = tpu.vector_load %arg6[%get3A_906, %get3A_907] {strides = array<i32>} : memref<8x256xf32, #tpu.memory_space<vmem>>, vector<1x16xf32>,
    %get3A_909 = vector.shape_cast %get3A_908 : vector<1x16xf32> to vector<16xf32>
    %mul3A_910 = vector.broadcast %squeeze3A_904 : f32 to vector<16xf32>
    %mul3A_911 = arith.mulf %mul3A_910, %get3A_909 : vector<16xf32>
    %add3A_912 = arith.addf %add3A_902, %mul3A_911 : vector<16xf32>
    %slice3A_913 = vector.extract_strided_slice %get3A_34 {offsets = [2], sizes = [1], strides = [1]} : vector<16xf32> to vector<1xf32>
    %squeeze3A_914 = vector.extract %slice3A_913[0] : f32 from vector<1xf32>
    %get3A_915 = arith.constant 2 : i32
    %get3A_916 = arith.index_cast %get3A_915 : i32 to index
    %get3A_917 = arith.constant 160 : index
    %get3A_918 = tpu.vector_load %arg6[%get3A_916, %get3A_917] {strides = array<i32>} : memref<8x256xf32, #tpu.memory_space<vmem>>, vector<1x16xf32>,
    %get3A_919 = vector.shape_cast %get3A_918 : vector<1x16xf32> to vector<16xf32>
    %mul3A_920 = vector.broadcast %squeeze3A_914 : f32 to vector<16xf32>
    %mul3A_921 = arith.mulf %mul3A_920, %get3A_919 : vector<16xf32>
    %add3A_922 = arith.addf %add3A_912, %mul3A_921 : vector<16xf32>
    %slice3A_923 = vector.extract_strided_slice %get3A_34 {offsets = [3], sizes = [1], strides = [1]} : vector<16xf32> to vector<1xf32>
    %squeeze3A_924 = vector.extract %slice3A_923[0] : f32 from vector<1xf32>
    %get3A_925 = arith.constant 3 : i32
    %get3A_926 = arith.index_cast %get3A_925 : i32 to index
    %get3A_927 = arith.constant 160 : index
    %get3A_928 = tpu.vector_load %arg6[%get3A_926, %get3A_927] {strides = array<i32>} : memref<8x256xf32, #tpu.memory_space<vmem>>, vector<1x16xf32>,
    %get3A_929 = vector.shape_cast %get3A_928 : vector<1x16xf32> to vector<16xf32>
    %mul3A_930 = vector.broadcast %squeeze3A_924 : f32 to vector<16xf32>
    %mul3A_931 = arith.mulf %mul3A_930, %get3A_929 : vector<16xf32>
    %add3A_932 = arith.addf %add3A_922, %mul3A_931 : vector<16xf32>
    %slice3A_933 = vector.extract_strided_slice %get3A_34 {offsets = [4], sizes = [1], strides = [1]} : vector<16xf32> to vector<1xf32>
    %squeeze3A_934 = vector.extract %slice3A_933[0] : f32 from vector<1xf32>
    %get3A_935 = arith.constant 4 : i32
    %get3A_936 = arith.index_cast %get3A_935 : i32 to index
    %get3A_937 = arith.constant 160 : index
    %get3A_938 = tpu.vector_load %arg6[%get3A_936, %get3A_937] {strides = array<i32>} : memref<8x256xf32, #tpu.memory_space<vmem>>, vector<1x16xf32>,
    %get3A_939 = vector.shape_cast %get3A_938 : vector<1x16xf32> to vector<16xf32>
    %mul3A_940 = vector.broadcast %squeeze3A_934 : f32 to vector<16xf32>
    %mul3A_941 = arith.mulf %mul3A_940, %get3A_939 : vector<16xf32>
    %add3A_942 = arith.addf %add3A_932, %mul3A_941 : vector<16xf32>
    %slice3A_943 = vector.extract_strided_slice %get3A_34 {offsets = [5], sizes = [1], strides = [1]} : vector<16xf32> to vector<1xf32>
    %squeeze3A_944 = vector.extract %slice3A_943[0] : f32 from vector<1xf32>
    %get3A_945 = arith.constant 5 : i32
    %get3A_946 = arith.index_cast %get3A_945 : i32 to index
    %get3A_947 = arith.constant 160 : index
    %get3A_948 = tpu.vector_load %arg6[%get3A_946, %get3A_947] {strides = array<i32>} : memref<8x256xf32, #tpu.memory_space<vmem>>, vector<1x16xf32>,
    %get3A_949 = vector.shape_cast %get3A_948 : vector<1x16xf32> to vector<16xf32>
    %mul3A_950 = vector.broadcast %squeeze3A_944 : f32 to vector<16xf32>
    %mul3A_951 = arith.mulf %mul3A_950, %get3A_949 : vector<16xf32>
    %add3A_952 = arith.addf %add3A_942, %mul3A_951 : vector<16xf32>
    %slice3A_953 = vector.extract_strided_slice %get3A_34 {offsets = [6], sizes = [1], strides = [1]} : vector<16xf32> to vector<1xf32>
    %squeeze3A_954 = vector.extract %slice3A_953[0] : f32 from vector<1xf32>
    %get3A_955 = arith.constant 6 : i32
    %get3A_956 = arith.index_cast %get3A_955 : i32 to index
    %get3A_957 = arith.constant 160 : index
    %get3A_958 = tpu.vector_load %arg6[%get3A_956, %get3A_957] {strides = array<i32>} : memref<8x256xf32, #tpu.memory_space<vmem>>, vector<1x16xf32>,
    %get3A_959 = vector.shape_cast %get3A_958 : vector<1x16xf32> to vector<16xf32>
    %mul3A_960 = vector.broadcast %squeeze3A_954 : f32 to vector<16xf32>
    %mul3A_961 = arith.mulf %mul3A_960, %get3A_959 : vector<16xf32>
    %add3A_962 = arith.addf %add3A_952, %mul3A_961 : vector<16xf32>
    %slice3A_963 = vector.extract_strided_slice %get3A_34 {offsets = [7], sizes = [1], strides = [1]} : vector<16xf32> to vector<1xf32>
    %squeeze3A_964 = vector.extract %slice3A_963[0] : f32 from vector<1xf32>
    %get3A_965 = arith.constant 7 : i32
    %get3A_966 = arith.index_cast %get3A_965 : i32 to index
    %get3A_967 = arith.constant 160 : index
    %get3A_968 = tpu.vector_load %arg6[%get3A_966, %get3A_967] {strides = array<i32>} : memref<8x256xf32, #tpu.memory_space<vmem>>, vector<1x16xf32>,
    %get3A_969 = vector.shape_cast %get3A_968 : vector<1x16xf32> to vector<16xf32>
    %mul3A_970 = vector.broadcast %squeeze3A_964 : f32 to vector<16xf32>
    %mul3A_971 = arith.mulf %mul3A_970, %get3A_969 : vector<16xf32>
    %add3A_972 = arith.addf %add3A_962, %mul3A_971 : vector<16xf32>
    %swap3A_973 = arith.constant 160 : index
    %swap3A_974 = tpu.vector_load %arg7[%swap3A_973] {strides = array<i32>} : memref<256xf32, #tpu.memory_space<vmem>>, vector<16xf32>,
    %swap3A_975 = vector.shape_cast %swap3A_974 : vector<16xf32> to vector<16xf32>
    %swap3A_976 = vector.shape_cast %add3A_972 : vector<16xf32> to vector<16xf32>
    tpu.vector_store %arg7[%swap3A_973], %swap3A_976 {strides = array<i32>} : memref<256xf32, #tpu.memory_space<vmem>>, vector<16xf32>,
    %broadcast_in_dim3A_977 = arith.constant 0.000000e+00 : f32
    %broadcast_in_dim3A_978 = vector.broadcast %broadcast_in_dim3A_977 : f32 to vector<16xf32>
    %slice3A_979 = vector.extract_strided_slice %get3A_34 {offsets = [0], sizes = [1], strides = [1]} : vector<16xf32> to vector<1xf32>
    %squeeze3A_980 = vector.extract %slice3A_979[0] : f32 from vector<1xf32>
    %get3A_981 = arith.constant 0 : i32
    %get3A_982 = arith.index_cast %get3A_981 : i32 to index
    %get3A_983 = arith.constant 176 : index
    %get3A_984 = tpu.vector_load %arg6[%get3A_982, %get3A_983] {strides = array<i32>} : memref<8x256xf32, #tpu.memory_space<vmem>>, vector<1x16xf32>,
    %get3A_985 = vector.shape_cast %get3A_984 : vector<1x16xf32> to vector<16xf32>
    %mul3A_986 = vector.broadcast %squeeze3A_980 : f32 to vector<16xf32>
    %mul3A_987 = arith.mulf %mul3A_986, %get3A_985 : vector<16xf32>
    %add3A_988 = arith.addf %broadcast_in_dim3A_978, %mul3A_987 : vector<16xf32>
    %slice3A_989 = vector.extract_strided_slice %get3A_34 {offsets = [1], sizes = [1], strides = [1]} : vector<16xf32> to vector<1xf32>
    %squeeze3A_990 = vector.extract %slice3A_989[0] : f32 from vector<1xf32>
    %get3A_991 = arith.constant 1 : i32
    %get3A_992 = arith.index_cast %get3A_991 : i32 to index
    %get3A_993 = arith.constant 176 : index
    %get3A_994 = tpu.vector_load %arg6[%get3A_992, %get3A_993] {strides = array<i32>} : memref<8x256xf32, #tpu.memory_space<vmem>>, vector<1x16xf32>,
    %get3A_995 = vector.shape_cast %get3A_994 : vector<1x16xf32> to vector<16xf32>
    %mul3A_996 = vector.broadcast %squeeze3A_990 : f32 to vector<16xf32>
    %mul3A_997 = arith.mulf %mul3A_996, %get3A_995 : vector<16xf32>
    %add3A_998 = arith.addf %add3A_988, %mul3A_997 : vector<16xf32>
    %slice3A_999 = vector.extract_strided_slice %get3A_34 {offsets = [2], sizes = [1], strides = [1]} : vector<16xf32> to vector<1xf32>
    %squeeze3A_1000 = vector.extract %slice3A_999[0] : f32 from vector<1xf32>
    %get3A_1001 = arith.constant 2 : i32
    %get3A_1002 = arith.index_cast %get3A_1001 : i32 to index
    %get3A_1003 = arith.constant 176 : index
    %get3A_1004 = tpu.vector_load %arg6[%get3A_1002, %get3A_1003] {strides = array<i32>} : memref<8x256xf32, #tpu.memory_space<vmem>>, vector<1x16xf32>,
    %get3A_1005 = vector.shape_cast %get3A_1004 : vector<1x16xf32> to vector<16xf32>
    %mul3A_1006 = vector.broadcast %squeeze3A_1000 : f32 to vector<16xf32>
    %mul3A_1007 = arith.mulf %mul3A_1006, %get3A_1005 : vector<16xf32>
    %add3A_1008 = arith.addf %add3A_998, %mul3A_1007 : vector<16xf32>
    %slice3A_1009 = vector.extract_strided_slice %get3A_34 {offsets = [3], sizes = [1], strides = [1]} : vector<16xf32> to vector<1xf32>
    %squeeze3A_1010 = vector.extract %slice3A_1009[0] : f32 from vector<1xf32>
    %get3A_1011 = arith.constant 3 : i32
    %get3A_1012 = arith.index_cast %get3A_1011 : i32 to index
    %get3A_1013 = arith.constant 176 : index
    %get3A_1014 = tpu.vector_load %arg6[%get3A_1012, %get3A_1013] {strides = array<i32>} : memref<8x256xf32, #tpu.memory_space<vmem>>, vector<1x16xf32>,
    %get3A_1015 = vector.shape_cast %get3A_1014 : vector<1x16xf32> to vector<16xf32>
    %mul3A_1016 = vector.broadcast %squeeze3A_1010 : f32 to vector<16xf32>
    %mul3A_1017 = arith.mulf %mul3A_1016, %get3A_1015 : vector<16xf32>
    %add3A_1018 = arith.addf %add3A_1008, %mul3A_1017 : vector<16xf32>
    %slice3A_1019 = vector.extract_strided_slice %get3A_34 {offsets = [4], sizes = [1], strides = [1]} : vector<16xf32> to vector<1xf32>
    %squeeze3A_1020 = vector.extract %slice3A_1019[0] : f32 from vector<1xf32>
    %get3A_1021 = arith.constant 4 : i32
    %get3A_1022 = arith.index_cast %get3A_1021 : i32 to index
    %get3A_1023 = arith.constant 176 : index
    %get3A_1024 = tpu.vector_load %arg6[%get3A_1022, %get3A_1023] {strides = array<i32>} : memref<8x256xf32, #tpu.memory_space<vmem>>, vector<1x16xf32>,
    %get3A_1025 = vector.shape_cast %get3A_1024 : vector<1x16xf32> to vector<16xf32>
    %mul3A_1026 = vector.broadcast %squeeze3A_1020 : f32 to vector<16xf32>
    %mul3A_1027 = arith.mulf %mul3A_1026, %get3A_1025 : vector<16xf32>
    %add3A_1028 = arith.addf %add3A_1018, %mul3A_1027 : vector<16xf32>
    %slice3A_1029 = vector.extract_strided_slice %get3A_34 {offsets = [5], sizes = [1], strides = [1]} : vector<16xf32> to vector<1xf32>
    %squeeze3A_1030 = vector.extract %slice3A_1029[0] : f32 from vector<1xf32>
    %get3A_1031 = arith.constant 5 : i32
    %get3A_1032 = arith.index_cast %get3A_1031 : i32 to index
    %get3A_1033 = arith.constant 176 : index
    %get3A_1034 = tpu.vector_load %arg6[%get3A_1032, %get3A_1033] {strides = array<i32>} : memref<8x256xf32, #tpu.memory_space<vmem>>, vector<1x16xf32>,
    %get3A_1035 = vector.shape_cast %get3A_1034 : vector<1x16xf32> to vector<16xf32>
    %mul3A_1036 = vector.broadcast %squeeze3A_1030 : f32 to vector<16xf32>
    %mul3A_1037 = arith.mulf %mul3A_1036, %get3A_1035 : vector<16xf32>
    %add3A_1038 = arith.addf %add3A_1028, %mul3A_1037 : vector<16xf32>
    %slice3A_1039 = vector.extract_strided_slice %get3A_34 {offsets = [6], sizes = [1], strides = [1]} : vector<16xf32> to vector<1xf32>
    %squeeze3A_1040 = vector.extract %slice3A_1039[0] : f32 from vector<1xf32>
    %get3A_1041 = arith.constant 6 : i32
    %get3A_1042 = arith.index_cast %get3A_1041 : i32 to index
    %get3A_1043 = arith.constant 176 : index
    %get3A_1044 = tpu.vector_load %arg6[%get3A_1042, %get3A_1043] {strides = array<i32>} : memref<8x256xf32, #tpu.memory_space<vmem>>, vector<1x16xf32>,
    %get3A_1045 = vector.shape_cast %get3A_1044 : vector<1x16xf32> to vector<16xf32>
    %mul3A_1046 = vector.broadcast %squeeze3A_1040 : f32 to vector<16xf32>
    %mul3A_1047 = arith.mulf %mul3A_1046, %get3A_1045 : vector<16xf32>
    %add3A_1048 = arith.addf %add3A_1038, %mul3A_1047 : vector<16xf32>
    %slice3A_1049 = vector.extract_strided_slice %get3A_34 {offsets = [7], sizes = [1], strides = [1]} : vector<16xf32> to vector<1xf32>
    %squeeze3A_1050 = vector.extract %slice3A_1049[0] : f32 from vector<1xf32>
    %get3A_1051 = arith.constant 7 : i32
    %get3A_1052 = arith.index_cast %get3A_1051 : i32 to index
    %get3A_1053 = arith.constant 176 : index
    %get3A_1054 = tpu.vector_load %arg6[%get3A_1052, %get3A_1053] {strides = array<i32>} : memref<8x256xf32, #tpu.memory_space<vmem>>, vector<1x16xf32>,
    %get3A_1055 = vector.shape_cast %get3A_1054 : vector<1x16xf32> to vector<16xf32>
    %mul3A_1056 = vector.broadcast %squeeze3A_1050 : f32 to vector<16xf32>
    %mul3A_1057 = arith.mulf %mul3A_1056, %get3A_1055 : vector<16xf32>
    %add3A_1058 = arith.addf %add3A_1048, %mul3A_1057 : vector<16xf32>
    %swap3A_1059 = arith.constant 176 : index
    %swap3A_1060 = tpu.vector_load %arg7[%swap3A_1059] {strides = array<i32>} : memref<256xf32, #tpu.memory_space<vmem>>, vector<16xf32>,
    %swap3A_1061 = vector.shape_cast %swap3A_1060 : vector<16xf32> to vector<16xf32>
    %swap3A_1062 = vector.shape_cast %add3A_1058 : vector<16xf32> to vector<16xf32>
    tpu.vector_store %arg7[%swap3A_1059], %swap3A_1062 {strides = array<i32>} : memref<256xf32, #tpu.memory_space<vmem>>, vector<16xf32>,
    %broadcast_in_dim3A_1063 = arith.constant 0.000000e+00 : f32
    %broadcast_in_dim3A_1064 = vector.broadcast %broadcast_in_dim3A_1063 : f32 to vector<16xf32>
    %slice3A_1065 = vector.extract_strided_slice %get3A_34 {offsets = [0], sizes = [1], strides = [1]} : vector<16xf32> to vector<1xf32>
    %squeeze3A_1066 = vector.extract %slice3A_1065[0] : f32 from vector<1xf32>
    %get3A_1067 = arith.constant 0 : i32
    %get3A_1068 = arith.index_cast %get3A_1067 : i32 to index
    %get3A_1069 = arith.constant 192 : index
    %get3A_1070 = tpu.vector_load %arg6[%get3A_1068, %get3A_1069] {strides = array<i32>} : memref<8x256xf32, #tpu.memory_space<vmem>>, vector<1x16xf32>,
    %get3A_1071 = vector.shape_cast %get3A_1070 : vector<1x16xf32> to vector<16xf32>
    %mul3A_1072 = vector.broadcast %squeeze3A_1066 : f32 to vector<16xf32>
    %mul3A_1073 = arith.mulf %mul3A_1072, %get3A_1071 : vector<16xf32>
    %add3A_1074 = arith.addf %broadcast_in_dim3A_1064, %mul3A_1073 : vector<16xf32>
    %slice3A_1075 = vector.extract_strided_slice %get3A_34 {offsets = [1], sizes = [1], strides = [1]} : vector<16xf32> to vector<1xf32>
    %squeeze3A_1076 = vector.extract %slice3A_1075[0] : f32 from vector<1xf32>
    %get3A_1077 = arith.constant 1 : i32
    %get3A_1078 = arith.index_cast %get3A_1077 : i32 to index
    %get3A_1079 = arith.constant 192 : index
    %get3A_1080 = tpu.vector_load %arg6[%get3A_1078, %get3A_1079] {strides = array<i32>} : memref<8x256xf32, #tpu.memory_space<vmem>>, vector<1x16xf32>,
    %get3A_1081 = vector.shape_cast %get3A_1080 : vector<1x16xf32> to vector<16xf32>
    %mul3A_1082 = vector.broadcast %squeeze3A_1076 : f32 to vector<16xf32>
    %mul3A_1083 = arith.mulf %mul3A_1082, %get3A_1081 : vector<16xf32>
    %add3A_1084 = arith.addf %add3A_1074, %mul3A_1083 : vector<16xf32>
    %slice3A_1085 = vector.extract_strided_slice %get3A_34 {offsets = [2], sizes = [1], strides = [1]} : vector<16xf32> to vector<1xf32>
    %squeeze3A_1086 = vector.extract %slice3A_1085[0] : f32 from vector<1xf32>
    %get3A_1087 = arith.constant 2 : i32
    %get3A_1088 = arith.index_cast %get3A_1087 : i32 to index
    %get3A_1089 = arith.constant 192 : index
    %get3A_1090 = tpu.vector_load %arg6[%get3A_1088, %get3A_1089] {strides = array<i32>} : memref<8x256xf32, #tpu.memory_space<vmem>>, vector<1x16xf32>,
    %get3A_1091 = vector.shape_cast %get3A_1090 : vector<1x16xf32> to vector<16xf32>
    %mul3A_1092 = vector.broadcast %squeeze3A_1086 : f32 to vector<16xf32>
    %mul3A_1093 = arith.mulf %mul3A_1092, %get3A_1091 : vector<16xf32>
    %add3A_1094 = arith.addf %add3A_1084, %mul3A_1093 : vector<16xf32>
    %slice3A_1095 = vector.extract_strided_slice %get3A_34 {offsets = [3], sizes = [1], strides = [1]} : vector<16xf32> to vector<1xf32>
    %squeeze3A_1096 = vector.extract %slice3A_1095[0] : f32 from vector<1xf32>
    %get3A_1097 = arith.constant 3 : i32
    %get3A_1098 = arith.index_cast %get3A_1097 : i32 to index
    %get3A_1099 = arith.constant 192 : index
    %get3A_1100 = tpu.vector_load %arg6[%get3A_1098, %get3A_1099] {strides = array<i32>} : memref<8x256xf32, #tpu.memory_space<vmem>>, vector<1x16xf32>,
    %get3A_1101 = vector.shape_cast %get3A_1100 : vector<1x16xf32> to vector<16xf32>
    %mul3A_1102 = vector.broadcast %squeeze3A_1096 : f32 to vector<16xf32>
    %mul3A_1103 = arith.mulf %mul3A_1102, %get3A_1101 : vector<16xf32>
    %add3A_1104 = arith.addf %add3A_1094, %mul3A_1103 : vector<16xf32>
    %slice3A_1105 = vector.extract_strided_slice %get3A_34 {offsets = [4], sizes = [1], strides = [1]} : vector<16xf32> to vector<1xf32>
    %squeeze3A_1106 = vector.extract %slice3A_1105[0] : f32 from vector<1xf32>
    %get3A_1107 = arith.constant 4 : i32
    %get3A_1108 = arith.index_cast %get3A_1107 : i32 to index
    %get3A_1109 = arith.constant 192 : index
    %get3A_1110 = tpu.vector_load %arg6[%get3A_1108, %get3A_1109] {strides = array<i32>} : memref<8x256xf32, #tpu.memory_space<vmem>>, vector<1x16xf32>,
    %get3A_1111 = vector.shape_cast %get3A_1110 : vector<1x16xf32> to vector<16xf32>
    %mul3A_1112 = vector.broadcast %squeeze3A_1106 : f32 to vector<16xf32>
    %mul3A_1113 = arith.mulf %mul3A_1112, %get3A_1111 : vector<16xf32>
    %add3A_1114 = arith.addf %add3A_1104, %mul3A_1113 : vector<16xf32>
    %slice3A_1115 = vector.extract_strided_slice %get3A_34 {offsets = [5], sizes = [1], strides = [1]} : vector<16xf32> to vector<1xf32>
    %squeeze3A_1116 = vector.extract %slice3A_1115[0] : f32 from vector<1xf32>
    %get3A_1117 = arith.constant 5 : i32
    %get3A_1118 = arith.index_cast %get3A_1117 : i32 to index
    %get3A_1119 = arith.constant 192 : index
    %get3A_1120 = tpu.vector_load %arg6[%get3A_1118, %get3A_1119] {strides = array<i32>} : memref<8x256xf32, #tpu.memory_space<vmem>>, vector<1x16xf32>,
    %get3A_1121 = vector.shape_cast %get3A_1120 : vector<1x16xf32> to vector<16xf32>
    %mul3A_1122 = vector.broadcast %squeeze3A_1116 : f32 to vector<16xf32>
    %mul3A_1123 = arith.mulf %mul3A_1122, %get3A_1121 : vector<16xf32>
    %add3A_1124 = arith.addf %add3A_1114, %mul3A_1123 : vector<16xf32>
    %slice3A_1125 = vector.extract_strided_slice %get3A_34 {offsets = [6], sizes = [1], strides = [1]} : vector<16xf32> to vector<1xf32>
    %squeeze3A_1126 = vector.extract %slice3A_1125[0] : f32 from vector<1xf32>
    %get3A_1127 = arith.constant 6 : i32
    %get3A_1128 = arith.index_cast %get3A_1127 : i32 to index
    %get3A_1129 = arith.constant 192 : index
    %get3A_1130 = tpu.vector_load %arg6[%get3A_1128, %get3A_1129] {strides = array<i32>} : memref<8x256xf32, #tpu.memory_space<vmem>>, vector<1x16xf32>,
    %get3A_1131 = vector.shape_cast %get3A_1130 : vector<1x16xf32> to vector<16xf32>
    %mul3A_1132 = vector.broadcast %squeeze3A_1126 : f32 to vector<16xf32>
    %mul3A_1133 = arith.mulf %mul3A_1132, %get3A_1131 : vector<16xf32>
    %add3A_1134 = arith.addf %add3A_1124, %mul3A_1133 : vector<16xf32>
    %slice3A_1135 = vector.extract_strided_slice %get3A_34 {offsets = [7], sizes = [1], strides = [1]} : vector<16xf32> to vector<1xf32>
    %squeeze3A_1136 = vector.extract %slice3A_1135[0] : f32 from vector<1xf32>
    %get3A_1137 = arith.constant 7 : i32
    %get3A_1138 = arith.index_cast %get3A_1137 : i32 to index
    %get3A_1139 = arith.constant 192 : index
    %get3A_1140 = tpu.vector_load %arg6[%get3A_1138, %get3A_1139] {strides = array<i32>} : memref<8x256xf32, #tpu.memory_space<vmem>>, vector<1x16xf32>,
    %get3A_1141 = vector.shape_cast %get3A_1140 : vector<1x16xf32> to vector<16xf32>
    %mul3A_1142 = vector.broadcast %squeeze3A_1136 : f32 to vector<16xf32>
    %mul3A_1143 = arith.mulf %mul3A_1142, %get3A_1141 : vector<16xf32>
    %add3A_1144 = arith.addf %add3A_1134, %mul3A_1143 : vector<16xf32>
    %swap3A_1145 = arith.constant 192 : index
    %swap3A_1146 = tpu.vector_load %arg7[%swap3A_1145] {strides = array<i32>} : memref<256xf32, #tpu.memory_space<vmem>>, vector<16xf32>,
    %swap3A_1147 = vector.shape_cast %swap3A_1146 : vector<16xf32> to vector<16xf32>
    %swap3A_1148 = vector.shape_cast %add3A_1144 : vector<16xf32> to vector<16xf32>
    tpu.vector_store %arg7[%swap3A_1145], %swap3A_1148 {strides = array<i32>} : memref<256xf32, #tpu.memory_space<vmem>>, vector<16xf32>,
    %broadcast_in_dim3A_1149 = arith.constant 0.000000e+00 : f32
    %broadcast_in_dim3A_1150 = vector.broadcast %broadcast_in_dim3A_1149 : f32 to vector<16xf32>
    %slice3A_1151 = vector.extract_strided_slice %get3A_34 {offsets = [0], sizes = [1], strides = [1]} : vector<16xf32> to vector<1xf32>
    %squeeze3A_1152 = vector.extract %slice3A_1151[0] : f32 from vector<1xf32>
    %get3A_1153 = arith.constant 0 : i32
    %get3A_1154 = arith.index_cast %get3A_1153 : i32 to index
    %get3A_1155 = arith.constant 208 : index
    %get3A_1156 = tpu.vector_load %arg6[%get3A_1154, %get3A_1155] {strides = array<i32>} : memref<8x256xf32, #tpu.memory_space<vmem>>, vector<1x16xf32>,
    %get3A_1157 = vector.shape_cast %get3A_1156 : vector<1x16xf32> to vector<16xf32>
    %mul3A_1158 = vector.broadcast %squeeze3A_1152 : f32 to vector<16xf32>
    %mul3A_1159 = arith.mulf %mul3A_1158, %get3A_1157 : vector<16xf32>
    %add3A_1160 = arith.addf %broadcast_in_dim3A_1150, %mul3A_1159 : vector<16xf32>
    %slice3A_1161 = vector.extract_strided_slice %get3A_34 {offsets = [1], sizes = [1], strides = [1]} : vector<16xf32> to vector<1xf32>
    %squeeze3A_1162 = vector.extract %slice3A_1161[0] : f32 from vector<1xf32>
    %get3A_1163 = arith.constant 1 : i32
    %get3A_1164 = arith.index_cast %get3A_1163 : i32 to index
    %get3A_1165 = arith.constant 208 : index
    %get3A_1166 = tpu.vector_load %arg6[%get3A_1164, %get3A_1165] {strides = array<i32>} : memref<8x256xf32, #tpu.memory_space<vmem>>, vector<1x16xf32>,
    %get3A_1167 = vector.shape_cast %get3A_1166 : vector<1x16xf32> to vector<16xf32>
    %mul3A_1168 = vector.broadcast %squeeze3A_1162 : f32 to vector<16xf32>
    %mul3A_1169 = arith.mulf %mul3A_1168, %get3A_1167 : vector<16xf32>
    %add3A_1170 = arith.addf %add3A_1160, %mul3A_1169 : vector<16xf32>
    %slice3A_1171 = vector.extract_strided_slice %get3A_34 {offsets = [2], sizes = [1], strides = [1]} : vector<16xf32> to vector<1xf32>
    %squeeze3A_1172 = vector.extract %slice3A_1171[0] : f32 from vector<1xf32>
    %get3A_1173 = arith.constant 2 : i32
    %get3A_1174 = arith.index_cast %get3A_1173 : i32 to index
    %get3A_1175 = arith.constant 208 : index
    %get3A_1176 = tpu.vector_load %arg6[%get3A_1174, %get3A_1175] {strides = array<i32>} : memref<8x256xf32, #tpu.memory_space<vmem>>, vector<1x16xf32>,
    %get3A_1177 = vector.shape_cast %get3A_1176 : vector<1x16xf32> to vector<16xf32>
    %mul3A_1178 = vector.broadcast %squeeze3A_1172 : f32 to vector<16xf32>
    %mul3A_1179 = arith.mulf %mul3A_1178, %get3A_1177 : vector<16xf32>
    %add3A_1180 = arith.addf %add3A_1170, %mul3A_1179 : vector<16xf32>
    %slice3A_1181 = vector.extract_strided_slice %get3A_34 {offsets = [3], sizes = [1], strides = [1]} : vector<16xf32> to vector<1xf32>
    %squeeze3A_1182 = vector.extract %slice3A_1181[0] : f32 from vector<1xf32>
    %get3A_1183 = arith.constant 3 : i32
    %get3A_1184 = arith.index_cast %get3A_1183 : i32 to index
    %get3A_1185 = arith.constant 208 : index
    %get3A_1186 = tpu.vector_load %arg6[%get3A_1184, %get3A_1185] {strides = array<i32>} : memref<8x256xf32, #tpu.memory_space<vmem>>, vector<1x16xf32>,
    %get3A_1187 = vector.shape_cast %get3A_1186 : vector<1x16xf32> to vector<16xf32>
    %mul3A_1188 = vector.broadcast %squeeze3A_1182 : f32 to vector<16xf32>
    %mul3A_1189 = arith.mulf %mul3A_1188, %get3A_1187 : vector<16xf32>
    %add3A_1190 = arith.addf %add3A_1180, %mul3A_1189 : vector<16xf32>
    %slice3A_1191 = vector.extract_strided_slice %get3A_34 {offsets = [4], sizes = [1], strides = [1]} : vector<16xf32> to vector<1xf32>
    %squeeze3A_1192 = vector.extract %slice3A_1191[0] : f32 from vector<1xf32>
    %get3A_1193 = arith.constant 4 : i32
    %get3A_1194 = arith.index_cast %get3A_1193 : i32 to index
    %get3A_1195 = arith.constant 208 : index
    %get3A_1196 = tpu.vector_load %arg6[%get3A_1194, %get3A_1195] {strides = array<i32>} : memref<8x256xf32, #tpu.memory_space<vmem>>, vector<1x16xf32>,
    %get3A_1197 = vector.shape_cast %get3A_1196 : vector<1x16xf32> to vector<16xf32>
    %mul3A_1198 = vector.broadcast %squeeze3A_1192 : f32 to vector<16xf32>
    %mul3A_1199 = arith.mulf %mul3A_1198, %get3A_1197 : vector<16xf32>
    %add3A_1200 = arith.addf %add3A_1190, %mul3A_1199 : vector<16xf32>
    %slice3A_1201 = vector.extract_strided_slice %get3A_34 {offsets = [5], sizes = [1], strides = [1]} : vector<16xf32> to vector<1xf32>
    %squeeze3A_1202 = vector.extract %slice3A_1201[0] : f32 from vector<1xf32>
    %get3A_1203 = arith.constant 5 : i32
    %get3A_1204 = arith.index_cast %get3A_1203 : i32 to index
    %get3A_1205 = arith.constant 208 : index
    %get3A_1206 = tpu.vector_load %arg6[%get3A_1204, %get3A_1205] {strides = array<i32>} : memref<8x256xf32, #tpu.memory_space<vmem>>, vector<1x16xf32>,
    %get3A_1207 = vector.shape_cast %get3A_1206 : vector<1x16xf32> to vector<16xf32>
    %mul3A_1208 = vector.broadcast %squeeze3A_1202 : f32 to vector<16xf32>
    %mul3A_1209 = arith.mulf %mul3A_1208, %get3A_1207 : vector<16xf32>
    %add3A_1210 = arith.addf %add3A_1200, %mul3A_1209 : vector<16xf32>
    %slice3A_1211 = vector.extract_strided_slice %get3A_34 {offsets = [6], sizes = [1], strides = [1]} : vector<16xf32> to vector<1xf32>
    %squeeze3A_1212 = vector.extract %slice3A_1211[0] : f32 from vector<1xf32>
    %get3A_1213 = arith.constant 6 : i32
    %get3A_1214 = arith.index_cast %get3A_1213 : i32 to index
    %get3A_1215 = arith.constant 208 : index
    %get3A_1216 = tpu.vector_load %arg6[%get3A_1214, %get3A_1215] {strides = array<i32>} : memref<8x256xf32, #tpu.memory_space<vmem>>, vector<1x16xf32>,
    %get3A_1217 = vector.shape_cast %get3A_1216 : vector<1x16xf32> to vector<16xf32>
    %mul3A_1218 = vector.broadcast %squeeze3A_1212 : f32 to vector<16xf32>
    %mul3A_1219 = arith.mulf %mul3A_1218, %get3A_1217 : vector<16xf32>
    %add3A_1220 = arith.addf %add3A_1210, %mul3A_1219 : vector<16xf32>
    %slice3A_1221 = vector.extract_strided_slice %get3A_34 {offsets = [7], sizes = [1], strides = [1]} : vector<16xf32> to vector<1xf32>
    %squeeze3A_1222 = vector.extract %slice3A_1221[0] : f32 from vector<1xf32>
    %get3A_1223 = arith.constant 7 : i32
    %get3A_1224 = arith.index_cast %get3A_1223 : i32 to index
    %get3A_1225 = arith.constant 208 : index
    %get3A_1226 = tpu.vector_load %arg6[%get3A_1224, %get3A_1225] {strides = array<i32>} : memref<8x256xf32, #tpu.memory_space<vmem>>, vector<1x16xf32>,
    %get3A_1227 = vector.shape_cast %get3A_1226 : vector<1x16xf32> to vector<16xf32>
    %mul3A_1228 = vector.broadcast %squeeze3A_1222 : f32 to vector<16xf32>
    %mul3A_1229 = arith.mulf %mul3A_1228, %get3A_1227 : vector<16xf32>
    %add3A_1230 = arith.addf %add3A_1220, %mul3A_1229 : vector<16xf32>
    %swap3A_1231 = arith.constant 208 : index
    %swap3A_1232 = tpu.vector_load %arg7[%swap3A_1231] {strides = array<i32>} : memref<256xf32, #tpu.memory_space<vmem>>, vector<16xf32>,
    %swap3A_1233 = vector.shape_cast %swap3A_1232 : vector<16xf32> to vector<16xf32>
    %swap3A_1234 = vector.shape_cast %add3A_1230 : vector<16xf32> to vector<16xf32>
    tpu.vector_store %arg7[%swap3A_1231], %swap3A_1234 {strides = array<i32>} : memref<256xf32, #tpu.memory_space<vmem>>, vector<16xf32>,
    %broadcast_in_dim3A_1235 = arith.constant 0.000000e+00 : f32
    %broadcast_in_dim3A_1236 = vector.broadcast %broadcast_in_dim3A_1235 : f32 to vector<16xf32>
    %slice3A_1237 = vector.extract_strided_slice %get3A_34 {offsets = [0], sizes = [1], strides = [1]} : vector<16xf32> to vector<1xf32>
    %squeeze3A_1238 = vector.extract %slice3A_1237[0] : f32 from vector<1xf32>
    %get3A_1239 = arith.constant 0 : i32
    %get3A_1240 = arith.index_cast %get3A_1239 : i32 to index
    %get3A_1241 = arith.constant 224 : index
    %get3A_1242 = tpu.vector_load %arg6[%get3A_1240, %get3A_1241] {strides = array<i32>} : memref<8x256xf32, #tpu.memory_space<vmem>>, vector<1x16xf32>,
    %get3A_1243 = vector.shape_cast %get3A_1242 : vector<1x16xf32> to vector<16xf32>
    %mul3A_1244 = vector.broadcast %squeeze3A_1238 : f32 to vector<16xf32>
    %mul3A_1245 = arith.mulf %mul3A_1244, %get3A_1243 : vector<16xf32>
    %add3A_1246 = arith.addf %broadcast_in_dim3A_1236, %mul3A_1245 : vector<16xf32>
    %slice3A_1247 = vector.extract_strided_slice %get3A_34 {offsets = [1], sizes = [1], strides = [1]} : vector<16xf32> to vector<1xf32>
    %squeeze3A_1248 = vector.extract %slice3A_1247[0] : f32 from vector<1xf32>
    %get3A_1249 = arith.constant 1 : i32
    %get3A_1250 = arith.index_cast %get3A_1249 : i32 to index
    %get3A_1251 = arith.constant 224 : index
    %get3A_1252 = tpu.vector_load %arg6[%get3A_1250, %get3A_1251] {strides = array<i32>} : memref<8x256xf32, #tpu.memory_space<vmem>>, vector<1x16xf32>,
    %get3A_1253 = vector.shape_cast %get3A_1252 : vector<1x16xf32> to vector<16xf32>
    %mul3A_1254 = vector.broadcast %squeeze3A_1248 : f32 to vector<16xf32>
    %mul3A_1255 = arith.mulf %mul3A_1254, %get3A_1253 : vector<16xf32>
    %add3A_1256 = arith.addf %add3A_1246, %mul3A_1255 : vector<16xf32>
    %slice3A_1257 = vector.extract_strided_slice %get3A_34 {offsets = [2], sizes = [1], strides = [1]} : vector<16xf32> to vector<1xf32>
    %squeeze3A_1258 = vector.extract %slice3A_1257[0] : f32 from vector<1xf32>
    %get3A_1259 = arith.constant 2 : i32
    %get3A_1260 = arith.index_cast %get3A_1259 : i32 to index
    %get3A_1261 = arith.constant 224 : index
    %get3A_1262 = tpu.vector_load %arg6[%get3A_1260, %get3A_1261] {strides = array<i32>} : memref<8x256xf32, #tpu.memory_space<vmem>>, vector<1x16xf32>,
    %get3A_1263 = vector.shape_cast %get3A_1262 : vector<1x16xf32> to vector<16xf32>
    %mul3A_1264 = vector.broadcast %squeeze3A_1258 : f32 to vector<16xf32>
    %mul3A_1265 = arith.mulf %mul3A_1264, %get3A_1263 : vector<16xf32>
    %add3A_1266 = arith.addf %add3A_1256, %mul3A_1265 : vector<16xf32>
    %slice3A_1267 = vector.extract_strided_slice %get3A_34 {offsets = [3], sizes = [1], strides = [1]} : vector<16xf32> to vector<1xf32>
    %squeeze3A_1268 = vector.extract %slice3A_1267[0] : f32 from vector<1xf32>
    %get3A_1269 = arith.constant 3 : i32
    %get3A_1270 = arith.index_cast %get3A_1269 : i32 to index
    %get3A_1271 = arith.constant 224 : index
    %get3A_1272 = tpu.vector_load %arg6[%get3A_1270, %get3A_1271] {strides = array<i32>} : memref<8x256xf32, #tpu.memory_space<vmem>>, vector<1x16xf32>,
    %get3A_1273 = vector.shape_cast %get3A_1272 : vector<1x16xf32> to vector<16xf32>
    %mul3A_1274 = vector.broadcast %squeeze3A_1268 : f32 to vector<16xf32>
    %mul3A_1275 = arith.mulf %mul3A_1274, %get3A_1273 : vector<16xf32>
    %add3A_1276 = arith.addf %add3A_1266, %mul3A_1275 : vector<16xf32>
    %slice3A_1277 = vector.extract_strided_slice %get3A_34 {offsets = [4], sizes = [1], strides = [1]} : vector<16xf32> to vector<1xf32>
    %squeeze3A_1278 = vector.extract %slice3A_1277[0] : f32 from vector<1xf32>
    %get3A_1279 = arith.constant 4 : i32
    %get3A_1280 = arith.index_cast %get3A_1279 : i32 to index
    %get3A_1281 = arith.constant 224 : index
    %get3A_1282 = tpu.vector_load %arg6[%get3A_1280, %get3A_1281] {strides = array<i32>} : memref<8x256xf32, #tpu.memory_space<vmem>>, vector<1x16xf32>,
    %get3A_1283 = vector.shape_cast %get3A_1282 : vector<1x16xf32> to vector<16xf32>
    %mul3A_1284 = vector.broadcast %squeeze3A_1278 : f32 to vector<16xf32>
    %mul3A_1285 = arith.mulf %mul3A_1284, %get3A_1283 : vector<16xf32>
    %add3A_1286 = arith.addf %add3A_1276, %mul3A_1285 : vector<16xf32>
    %slice3A_1287 = vector.extract_strided_slice %get3A_34 {offsets = [5], sizes = [1], strides = [1]} : vector<16xf32> to vector<1xf32>
    %squeeze3A_1288 = vector.extract %slice3A_1287[0] : f32 from vector<1xf32>
    %get3A_1289 = arith.constant 5 : i32
    %get3A_1290 = arith.index_cast %get3A_1289 : i32 to index
    %get3A_1291 = arith.constant 224 : index
    %get3A_1292 = tpu.vector_load %arg6[%get3A_1290, %get3A_1291] {strides = array<i32>} : memref<8x256xf32, #tpu.memory_space<vmem>>, vector<1x16xf32>,
    %get3A_1293 = vector.shape_cast %get3A_1292 : vector<1x16xf32> to vector<16xf32>
    %mul3A_1294 = vector.broadcast %squeeze3A_1288 : f32 to vector<16xf32>
    %mul3A_1295 = arith.mulf %mul3A_1294, %get3A_1293 : vector<16xf32>
    %add3A_1296 = arith.addf %add3A_1286, %mul3A_1295 : vector<16xf32>
    %slice3A_1297 = vector.extract_strided_slice %get3A_34 {offsets = [6], sizes = [1], strides = [1]} : vector<16xf32> to vector<1xf32>
    %squeeze3A_1298 = vector.extract %slice3A_1297[0] : f32 from vector<1xf32>
    %get3A_1299 = arith.constant 6 : i32
    %get3A_1300 = arith.index_cast %get3A_1299 : i32 to index
    %get3A_1301 = arith.constant 224 : index
    %get3A_1302 = tpu.vector_load %arg6[%get3A_1300, %get3A_1301] {strides = array<i32>} : memref<8x256xf32, #tpu.memory_space<vmem>>, vector<1x16xf32>,
    %get3A_1303 = vector.shape_cast %get3A_1302 : vector<1x16xf32> to vector<16xf32>
    %mul3A_1304 = vector.broadcast %squeeze3A_1298 : f32 to vector<16xf32>
    %mul3A_1305 = arith.mulf %mul3A_1304, %get3A_1303 : vector<16xf32>
    %add3A_1306 = arith.addf %add3A_1296, %mul3A_1305 : vector<16xf32>
    %slice3A_1307 = vector.extract_strided_slice %get3A_34 {offsets = [7], sizes = [1], strides = [1]} : vector<16xf32> to vector<1xf32>
    %squeeze3A_1308 = vector.extract %slice3A_1307[0] : f32 from vector<1xf32>
    %get3A_1309 = arith.constant 7 : i32
    %get3A_1310 = arith.index_cast %get3A_1309 : i32 to index
    %get3A_1311 = arith.constant 224 : index
    %get3A_1312 = tpu.vector_load %arg6[%get3A_1310, %get3A_1311] {strides = array<i32>} : memref<8x256xf32, #tpu.memory_space<vmem>>, vector<1x16xf32>,
    %get3A_1313 = vector.shape_cast %get3A_1312 : vector<1x16xf32> to vector<16xf32>
    %mul3A_1314 = vector.broadcast %squeeze3A_1308 : f32 to vector<16xf32>
    %mul3A_1315 = arith.mulf %mul3A_1314, %get3A_1313 : vector<16xf32>
    %add3A_1316 = arith.addf %add3A_1306, %mul3A_1315 : vector<16xf32>
    %swap3A_1317 = arith.constant 224 : index
    %swap3A_1318 = tpu.vector_load %arg7[%swap3A_1317] {strides = array<i32>} : memref<256xf32, #tpu.memory_space<vmem>>, vector<16xf32>,
    %swap3A_1319 = vector.shape_cast %swap3A_1318 : vector<16xf32> to vector<16xf32>
    %swap3A_1320 = vector.shape_cast %add3A_1316 : vector<16xf32> to vector<16xf32>
    tpu.vector_store %arg7[%swap3A_1317], %swap3A_1320 {strides = array<i32>} : memref<256xf32, #tpu.memory_space<vmem>>, vector<16xf32>,
    %broadcast_in_dim3A_1321 = arith.constant 0.000000e+00 : f32
    %broadcast_in_dim3A_1322 = vector.broadcast %broadcast_in_dim3A_1321 : f32 to vector<16xf32>
    %slice3A_1323 = vector.extract_strided_slice %get3A_34 {offsets = [0], sizes = [1], strides = [1]} : vector<16xf32> to vector<1xf32>
    %squeeze3A_1324 = vector.extract %slice3A_1323[0] : f32 from vector<1xf32>
    %get3A_1325 = arith.constant 0 : i32
    %get3A_1326 = arith.index_cast %get3A_1325 : i32 to index
    %get3A_1327 = arith.constant 240 : index
    %get3A_1328 = tpu.vector_load %arg6[%get3A_1326, %get3A_1327] {strides = array<i32>} : memref<8x256xf32, #tpu.memory_space<vmem>>, vector<1x16xf32>,
    %get3A_1329 = vector.shape_cast %get3A_1328 : vector<1x16xf32> to vector<16xf32>
    %mul3A_1330 = vector.broadcast %squeeze3A_1324 : f32 to vector<16xf32>
    %mul3A_1331 = arith.mulf %mul3A_1330, %get3A_1329 : vector<16xf32>
    %add3A_1332 = arith.addf %broadcast_in_dim3A_1322, %mul3A_1331 : vector<16xf32>
    %slice3A_1333 = vector.extract_strided_slice %get3A_34 {offsets = [1], sizes = [1], strides = [1]} : vector<16xf32> to vector<1xf32>
    %squeeze3A_1334 = vector.extract %slice3A_1333[0] : f32 from vector<1xf32>
    %get3A_1335 = arith.constant 1 : i32
    %get3A_1336 = arith.index_cast %get3A_1335 : i32 to index
    %get3A_1337 = arith.constant 240 : index
    %get3A_1338 = tpu.vector_load %arg6[%get3A_1336, %get3A_1337] {strides = array<i32>} : memref<8x256xf32, #tpu.memory_space<vmem>>, vector<1x16xf32>,
    %get3A_1339 = vector.shape_cast %get3A_1338 : vector<1x16xf32> to vector<16xf32>
    %mul3A_1340 = vector.broadcast %squeeze3A_1334 : f32 to vector<16xf32>
    %mul3A_1341 = arith.mulf %mul3A_1340, %get3A_1339 : vector<16xf32>
    %add3A_1342 = arith.addf %add3A_1332, %mul3A_1341 : vector<16xf32>
    %slice3A_1343 = vector.extract_strided_slice %get3A_34 {offsets = [2], sizes = [1], strides = [1]} : vector<16xf32> to vector<1xf32>
    %squeeze3A_1344 = vector.extract %slice3A_1343[0] : f32 from vector<1xf32>
    %get3A_1345 = arith.constant 2 : i32
    %get3A_1346 = arith.index_cast %get3A_1345 : i32 to index
    %get3A_1347 = arith.constant 240 : index
    %get3A_1348 = tpu.vector_load %arg6[%get3A_1346, %get3A_1347] {strides = array<i32>} : memref<8x256xf32, #tpu.memory_space<vmem>>, vector<1x16xf32>,
    %get3A_1349 = vector.shape_cast %get3A_1348 : vector<1x16xf32> to vector<16xf32>
    %mul3A_1350 = vector.broadcast %squeeze3A_1344 : f32 to vector<16xf32>
    %mul3A_1351 = arith.mulf %mul3A_1350, %get3A_1349 : vector<16xf32>
    %add3A_1352 = arith.addf %add3A_1342, %mul3A_1351 : vector<16xf32>
    %slice3A_1353 = vector.extract_strided_slice %get3A_34 {offsets = [3], sizes = [1], strides = [1]} : vector<16xf32> to vector<1xf32>
    %squeeze3A_1354 = vector.extract %slice3A_1353[0] : f32 from vector<1xf32>
    %get3A_1355 = arith.constant 3 : i32
    %get3A_1356 = arith.index_cast %get3A_1355 : i32 to index
    %get3A_1357 = arith.constant 240 : index
    %get3A_1358 = tpu.vector_load %arg6[%get3A_1356, %get3A_1357] {strides = array<i32>} : memref<8x256xf32, #tpu.memory_space<vmem>>, vector<1x16xf32>,
    %get3A_1359 = vector.shape_cast %get3A_1358 : vector<1x16xf32> to vector<16xf32>
    %mul3A_1360 = vector.broadcast %squeeze3A_1354 : f32 to vector<16xf32>
    %mul3A_1361 = arith.mulf %mul3A_1360, %get3A_1359 : vector<16xf32>
    %add3A_1362 = arith.addf %add3A_1352, %mul3A_1361 : vector<16xf32>
    %slice3A_1363 = vector.extract_strided_slice %get3A_34 {offsets = [4], sizes = [1], strides = [1]} : vector<16xf32> to vector<1xf32>
    %squeeze3A_1364 = vector.extract %slice3A_1363[0] : f32 from vector<1xf32>
    %get3A_1365 = arith.constant 4 : i32
    %get3A_1366 = arith.index_cast %get3A_1365 : i32 to index
    %get3A_1367 = arith.constant 240 : index
    %get3A_1368 = tpu.vector_load %arg6[%get3A_1366, %get3A_1367] {strides = array<i32>} : memref<8x256xf32, #tpu.memory_space<vmem>>, vector<1x16xf32>,
    %get3A_1369 = vector.shape_cast %get3A_1368 : vector<1x16xf32> to vector<16xf32>
    %mul3A_1370 = vector.broadcast %squeeze3A_1364 : f32 to vector<16xf32>
    %mul3A_1371 = arith.mulf %mul3A_1370, %get3A_1369 : vector<16xf32>
    %add3A_1372 = arith.addf %add3A_1362, %mul3A_1371 : vector<16xf32>
    %slice3A_1373 = vector.extract_strided_slice %get3A_34 {offsets = [5], sizes = [1], strides = [1]} : vector<16xf32> to vector<1xf32>
    %squeeze3A_1374 = vector.extract %slice3A_1373[0] : f32 from vector<1xf32>
    %get3A_1375 = arith.constant 5 : i32
    %get3A_1376 = arith.index_cast %get3A_1375 : i32 to index
    %get3A_1377 = arith.constant 240 : index
    %get3A_1378 = tpu.vector_load %arg6[%get3A_1376, %get3A_1377] {strides = array<i32>} : memref<8x256xf32, #tpu.memory_space<vmem>>, vector<1x16xf32>,
    %get3A_1379 = vector.shape_cast %get3A_1378 : vector<1x16xf32> to vector<16xf32>
    %mul3A_1380 = vector.broadcast %squeeze3A_1374 : f32 to vector<16xf32>
    %mul3A_1381 = arith.mulf %mul3A_1380, %get3A_1379 : vector<16xf32>
    %add3A_1382 = arith.addf %add3A_1372, %mul3A_1381 : vector<16xf32>
    %slice3A_1383 = vector.extract_strided_slice %get3A_34 {offsets = [6], sizes = [1], strides = [1]} : vector<16xf32> to vector<1xf32>
    %squeeze3A_1384 = vector.extract %slice3A_1383[0] : f32 from vector<1xf32>
    %get3A_1385 = arith.constant 6 : i32
    %get3A_1386 = arith.index_cast %get3A_1385 : i32 to index
    %get3A_1387 = arith.constant 240 : index
    %get3A_1388 = tpu.vector_load %arg6[%get3A_1386, %get3A_1387] {strides = array<i32>} : memref<8x256xf32, #tpu.memory_space<vmem>>, vector<1x16xf32>,
    %get3A_1389 = vector.shape_cast %get3A_1388 : vector<1x16xf32> to vector<16xf32>
    %mul3A_1390 = vector.broadcast %squeeze3A_1384 : f32 to vector<16xf32>
    %mul3A_1391 = arith.mulf %mul3A_1390, %get3A_1389 : vector<16xf32>
    %add3A_1392 = arith.addf %add3A_1382, %mul3A_1391 : vector<16xf32>
    %slice3A_1393 = vector.extract_strided_slice %get3A_34 {offsets = [7], sizes = [1], strides = [1]} : vector<16xf32> to vector<1xf32>
    %squeeze3A_1394 = vector.extract %slice3A_1393[0] : f32 from vector<1xf32>
    %get3A_1395 = arith.constant 7 : i32
    %get3A_1396 = arith.index_cast %get3A_1395 : i32 to index
    %get3A_1397 = arith.constant 240 : index
    %get3A_1398 = tpu.vector_load %arg6[%get3A_1396, %get3A_1397] {strides = array<i32>} : memref<8x256xf32, #tpu.memory_space<vmem>>, vector<1x16xf32>,
    %get3A_1399 = vector.shape_cast %get3A_1398 : vector<1x16xf32> to vector<16xf32>
    %mul3A_1400 = vector.broadcast %squeeze3A_1394 : f32 to vector<16xf32>
    %mul3A_1401 = arith.mulf %mul3A_1400, %get3A_1399 : vector<16xf32>
    %add3A_1402 = arith.addf %add3A_1392, %mul3A_1401 : vector<16xf32>
    %swap3A_1403 = arith.constant 240 : index
    %swap3A_1404 = tpu.vector_load %arg7[%swap3A_1403] {strides = array<i32>} : memref<256xf32, #tpu.memory_space<vmem>>, vector<16xf32>,
    %swap3A_1405 = vector.shape_cast %swap3A_1404 : vector<16xf32> to vector<16xf32>
    %swap3A_1406 = vector.shape_cast %add3A_1402 : vector<16xf32> to vector<16xf32>
    tpu.vector_store %arg7[%swap3A_1403], %swap3A_1406 {strides = array<i32>} : memref<256xf32, #tpu.memory_space<vmem>>, vector<16xf32>,
    %mul3A_1407 = arith.constant 256 : i32
    %mul3A_1408 = arith.muli %select_n3A_30, %mul3A_1407 : i32
    "tpu.region"() ({
      %run_scoped3A = tpu.sem_alloc : memref<!tpu.dma_semaphore, #tpu.memory_space<semaphore_mem>>
      %dma_start3A = tpu.memref_slice %arg4[%select_n3A, %mul3A_1408] : memref<4x2048xf32, #tpu.memory_space<hbm>> -> memref<1x256xf32, #tpu.memory_space<hbm>>
      %dma_start3A_1409 = tpu.memref_squeeze %dma_start3A : memref<1x256xf32, #tpu.memory_space<hbm>> -> memref<256xf32, #tpu.memory_space<hbm>>
      %dma_start3A_1410 = tpu.memref_slice %arg4[%select_n3A, %mul3A_1408] : memref<4x2048xf32, #tpu.memory_space<hbm>> -> memref<1x256xf32, #tpu.memory_space<hbm>>
      %dma_start3A_1411 = tpu.memref_squeeze %dma_start3A_1410 : memref<1x256xf32, #tpu.memory_space<hbm>> -> memref<256xf32, #tpu.memory_space<hbm>>
      tpu.enqueue_dma source(%arg7 : memref<256xf32, #tpu.memory_space<vmem>>) target(%dma_start3A_1411 : memref<256xf32, #tpu.memory_space<hbm>>) target_semaphore(%run_scoped3A : memref<!tpu.dma_semaphore, #tpu.memory_space<semaphore_mem>>)
      %dma_wait3A = tpu.memref_slice %arg4[%select_n3A, %mul3A_1408] : memref<4x2048xf32, #tpu.memory_space<hbm>> -> memref<1x256xf32, #tpu.memory_space<hbm>>
      %dma_wait3A_1412 = tpu.memref_squeeze %dma_wait3A : memref<1x256xf32, #tpu.memory_space<hbm>> -> memref<256xf32, #tpu.memory_space<hbm>>
      %dma_wait3A_1413 = tpu.memref_slice %arg4[%select_n3A, %mul3A_1408] : memref<4x2048xf32, #tpu.memory_space<hbm>> -> memref<1x256xf32, #tpu.memory_space<hbm>>
      %dma_wait3A_1414 = tpu.memref_squeeze %dma_wait3A_1413 : memref<1x256xf32, #tpu.memory_space<hbm>> -> memref<256xf32, #tpu.memory_space<hbm>>
      tpu.wait_dma2 semaphore(%run_scoped3A : memref<!tpu.dma_semaphore, #tpu.memory_space<semaphore_mem>>) src(%arg7 : memref<256xf32, #tpu.memory_space<vmem>>) dst(%dma_wait3A_1414 : memref<256xf32, #tpu.memory_space<hbm>>)
      tpu.yield
    }) : () -> ()
    return
  }
}

module attributes {stable_mosaic.version = 14 : i64} {
  func.func @_router_body(%arg0: i32, %arg1: memref<1024x2048xf32, #tpu.memory_space<vmem>>, %arg2: memref<2048x64xf32, #tpu.memory_space<vmem>>, %arg3: memref<1x64xf32, #tpu.memory_space<vmem>>, %arg4: memref<64x8xf32, #tpu.memory_space<vmem>>, %arg5: memref<1x8xf32, #tpu.memory_space<vmem>>, %arg6: memref<1x1xf32, #tpu.memory_space<vmem>>, %arg7: memref<4x16xf32, #tpu.memory_space<vmem>>, %arg8: memref<4x2048xf32, #tpu.memory_space<vmem>>) attributes {dimension_semantics = [#tpu.dimension_semantics<arbitrary>], iteration_bounds = array<i64: 16>, scalar_prefetch = 0 : i64, scratch_operands = 1 : i64, tpu.core_type = #tpu.core_type<tc>, window_params = [{transform_indices = @transform_0, window_bounds = array<i64: 1024, 2048>}, {pipeline_mode = #tpu.pipeline_mode<synchronous>, transform_indices = @transform_1, window_bounds = array<i64: 2048, 64>}, {pipeline_mode = #tpu.pipeline_mode<synchronous>, transform_indices = @transform_2, window_bounds = array<i64: 1, 64>}, {pipeline_mode = #tpu.pipeline_mode<synchronous>, transform_indices = @transform_3, window_bounds = array<i64: 64, 8>}, {pipeline_mode = #tpu.pipeline_mode<synchronous>, transform_indices = @transform_4, window_bounds = array<i64: 1, 8>}, {pipeline_mode = #tpu.pipeline_mode<synchronous>, transform_indices = @transform_5, window_bounds = array<i64: 1, 1>}, {pipeline_mode = #tpu.pipeline_mode<synchronous>, transform_indices = @transform_6, window_bounds = array<i64: 4, 16>}]} {
    %jit3A = arith.constant 4 : i32
    %div3A = arith.divsi %arg0, %jit3A : i32
    %sign3A = arith.constant 0 : i32
    %sign3A_0 = arith.cmpi sgt, %arg0, %sign3A : i32
    %sign3A_1 = arith.extui %sign3A_0 : i1 to i32
    %sign3A_2 = arith.constant 0 : i32
    %sign3A_3 = arith.cmpi slt, %arg0, %sign3A_2 : i32
    %sign3A_4 = arith.extui %sign3A_3 : i1 to i32
    %sign3A_5 = arith.subi %sign3A_1, %sign3A_4 : i32
    %sign3A_6 = arith.constant 0 : i32
    %sign3A_7 = arith.cmpi sgt, %jit3A, %sign3A_6 : i32
    %sign3A_8 = arith.extui %sign3A_7 : i1 to i32
    %sign3A_9 = arith.constant 0 : i32
    %sign3A_10 = arith.cmpi slt, %jit3A, %sign3A_9 : i32
    %sign3A_11 = arith.extui %sign3A_10 : i1 to i32
    %sign3A_12 = arith.subi %sign3A_8, %sign3A_11 : i32
    %ne3A = arith.cmpi ne, %sign3A_5, %sign3A_12 : i32
    %rem3A = arith.remsi %arg0, %jit3A : i32
    %ne3A_13 = arith.constant 0 : i32
    %ne3A_14 = arith.cmpi ne, %rem3A, %ne3A_13 : i32
    %and3A = arith.andi %ne3A, %ne3A_14 : i1
    %sub3A = arith.constant 1 : i32
    %sub3A_15 = arith.subi %div3A, %sub3A : i32
    %select_n3A = arith.select %and3A, %sub3A_15, %div3A : i32
    %eq3A = arith.constant 0 : i32
    %eq3A_16 = arith.cmpi eq, %arg0, %eq3A : i32
    %convert_element_type3A = arith.extui %eq3A_16 : i1 to i32
    %cond3A = arith.constant 0 : i32
    %cond3A_17 = arith.cmpi ne, %convert_element_type3A, %cond3A : i32
    scf.if %cond3A_17 {
      %broadcast_in_dim3A_31 = arith.constant 0.000000e+00 : f32
      %broadcast_in_dim3A_32 = vector.broadcast %broadcast_in_dim3A_31 : f32 to vector<4x2048xf32>
      %swap3A_33 = arith.constant 0 : index
      %swap3A_34 = arith.constant 0 : index
      %swap3A_35 = vector.load %arg8[%swap3A_33, %swap3A_34] : memref<4x2048xf32, #tpu.memory_space<vmem>>, vector<4x2048xf32>
      tpu.vector_store %arg8[%swap3A_33, %swap3A_34], %broadcast_in_dim3A_32 {strides = array<i32>} : memref<4x2048xf32, #tpu.memory_space<vmem>>, vector<4x2048xf32>,
    } else {
    }
    %get3A = arith.index_cast %select_n3A : i32 to index
    %get3A_18 = arith.constant 0 : index
    %get3A_19 = vector.load %arg8[%get3A, %get3A_18] : memref<4x2048xf32, #tpu.memory_space<vmem>>, vector<1x2048xf32>
    %get3A_20 = arith.constant 0 : index
    %get3A_21 = arith.constant 0 : index
    %get3A_22 = vector.load %arg1[%get3A_20, %get3A_21] : memref<1024x2048xf32, #tpu.memory_space<vmem>>, vector<1024x2048xf32>
    %reduce_sum3A = arith.constant dense<0.000000e+00> : vector<2048xf32>
    %reduce_sum3A_23 = vector.multi_reduction <add>, %get3A_22, %reduce_sum3A [0] : vector<1024x2048xf32> to vector<2048xf32>
    %broadcast_in_dim3A = vector.shape_cast %reduce_sum3A_23 : vector<2048xf32> to vector<1x2048xf32>
    %add3A = arith.addf %get3A_19, %broadcast_in_dim3A : vector<1x2048xf32>
    %swap3A = arith.index_cast %select_n3A : i32 to index
    %swap3A_24 = arith.constant 0 : index
    %swap3A_25 = vector.load %arg8[%swap3A, %swap3A_24] : memref<4x2048xf32, #tpu.memory_space<vmem>>, vector<1x2048xf32>
    tpu.vector_store %arg8[%swap3A, %swap3A_24], %add3A {strides = array<i32>} : memref<4x2048xf32, #tpu.memory_space<vmem>>, vector<1x2048xf32>,
    %eq3A_26 = arith.constant 15 : i32
    %eq3A_27 = arith.cmpi eq, %arg0, %eq3A_26 : i32
    %convert_element_type3A_28 = arith.extui %eq3A_27 : i1 to i32
    %cond3A_29 = arith.constant 0 : i32
    %cond3A_30 = arith.cmpi ne, %convert_element_type3A_28, %cond3A_29 : i32
    scf.if %cond3A_30 {
      %get3A_31 = arith.constant 0 : index
      %get3A_32 = arith.constant 0 : index
      %get3A_33 = vector.load %arg8[%get3A_31, %get3A_32] : memref<4x2048xf32, #tpu.memory_space<vmem>>, vector<4x2048xf32>
      %mul3A = arith.constant 2.44140625E-4 : f32
      %mul3A_34 = vector.broadcast %mul3A : f32 to vector<4x2048xf32>
      %mul3A_35 = arith.mulf %get3A_33, %mul3A_34 : vector<4x2048xf32>
      %get3A_36 = arith.constant 0 : index
      %get3A_37 = arith.constant 0 : index
      %get3A_38 = vector.load %arg2[%get3A_36, %get3A_37] : memref<2048x64xf32, #tpu.memory_space<vmem>>, vector<2048x64xf32>
      %dot_general3A = arith.constant dense<0.000000e+00> : vector<4x64xf32>
      %dot_general3A_39 = tpu.matmul %mul3A_35, %get3A_38, %dot_general3A {dimension_numbers = #tpu.dot_dimension_numbers<[1], [0], [0], [1], [0, 0, 1, 1], [], []>, transpose_lhs_hint = false} : vector<4x2048xf32>, vector<2048x64xf32>, vector<4x64xf32> -> vector<4x64xf32>
      %get3A_40 = arith.constant 0 : index
      %get3A_41 = arith.constant 0 : index
      %get3A_42 = vector.load %arg3[%get3A_40, %get3A_41] : memref<1x64xf32, #tpu.memory_space<vmem>>, vector<1x64xf32>
      %add3A_43 = vector.broadcast %get3A_42 : vector<1x64xf32> to vector<4x64xf32>
      %add3A_44 = arith.addf %dot_general3A_39, %add3A_43 : vector<4x64xf32>
      %max3A = arith.constant 0.000000e+00 : f32
      %max3A_45 = vector.broadcast %max3A : f32 to vector<4x64xf32>
      %max3A_46 = arith.maximumf %add3A_44, %max3A_45 : vector<4x64xf32>
      %get3A_47 = arith.constant 0 : index
      %get3A_48 = arith.constant 0 : index
      %get3A_49 = vector.load %arg4[%get3A_47, %get3A_48] : memref<64x8xf32, #tpu.memory_space<vmem>>, vector<64x8xf32>
      %dot_general3A_50 = arith.constant dense<0.000000e+00> : vector<4x8xf32>
      %dot_general3A_51 = tpu.matmul %max3A_46, %get3A_49, %dot_general3A_50 {dimension_numbers = #tpu.dot_dimension_numbers<[1], [0], [0], [1], [0, 0, 1, 1], [], []>, transpose_lhs_hint = false} : vector<4x64xf32>, vector<64x8xf32>, vector<4x8xf32> -> vector<4x8xf32>
      %get3A_52 = arith.constant 0 : index
      %get3A_53 = arith.constant 0 : index
      %get3A_54 = vector.load %arg5[%get3A_52, %get3A_53] : memref<1x8xf32, #tpu.memory_space<vmem>>, vector<1x8xf32>
      %add3A_55 = vector.broadcast %get3A_54 : vector<1x8xf32> to vector<4x8xf32>
      %add3A_56 = arith.addf %dot_general3A_51, %add3A_55 : vector<4x8xf32>
      %broadcast_in_dim3A_57 = arith.constant 0xFF800000 : f32
      %broadcast_in_dim3A_58 = vector.broadcast %broadcast_in_dim3A_57 : f32 to vector<4x8xf32>
      %concatenate3A = tpu.concatenate %add3A_56, %broadcast_in_dim3A_58 in 1 : vector<4x8xf32>, vector<4x8xf32> -> vector<4x16xf32>
      %iota3A = tpu.iota {dimensions = array<i32: 1>} : vector<4x16xi32>
      %reduce_max3A = arith.constant dense<0xFF800000> : vector<4xf32>
      %reduce_max3A_59 = vector.multi_reduction <maximumf>, %concatenate3A, %reduce_max3A [1] : vector<4x16xf32> to vector<4xf32>
      %broadcast_in_dim3A_60 = vector.shape_cast %reduce_max3A_59 : vector<4xf32> to vector<4x1xf32>
      %eq3A_61 = vector.broadcast %broadcast_in_dim3A_60 : vector<4x1xf32> to vector<4x16xf32>
      %eq3A_62 = arith.cmpf oeq, %concatenate3A, %eq3A_61 : vector<4x16xf32>
      %jit3A_63 = arith.constant 16 : i32
      %broadcast_in_dim3A_64 = vector.broadcast %jit3A_63 : i32 to vector<4x16xi32>
      %select_n3A_65 = arith.select %eq3A_62, %iota3A, %broadcast_in_dim3A_64 : vector<4x16xi1>, vector<4x16xi32>
      %reduce_min3A = arith.constant dense<2147483647> : vector<4xi32>
      %reduce_min3A_66 = vector.multi_reduction <minsi>, %select_n3A_65, %reduce_min3A [1] : vector<4x16xi32> to vector<4xi32>
      %broadcast_in_dim3A_67 = vector.shape_cast %reduce_min3A_66 : vector<4xi32> to vector<4x1xi32>
      %eq3A_68 = vector.broadcast %broadcast_in_dim3A_67 : vector<4x1xi32> to vector<4x16xi32>
      %eq3A_69 = arith.cmpi eq, %iota3A, %eq3A_68 : vector<4x16xi32>
      %jit3A_70 = arith.constant 0xFF800000 : f32
      %broadcast_in_dim3A_71 = vector.broadcast %jit3A_70 : f32 to vector<4x16xf32>
      %select_n3A_72 = arith.select %eq3A_69, %broadcast_in_dim3A_71, %concatenate3A : vector<4x16xi1>, vector<4x16xf32>
      %reduce_max3A_73 = arith.constant dense<0xFF800000> : vector<4xf32>
      %reduce_max3A_74 = vector.multi_reduction <maximumf>, %select_n3A_72, %reduce_max3A_73 [1] : vector<4x16xf32> to vector<4xf32>
      %broadcast_in_dim3A_75 = vector.shape_cast %reduce_max3A_74 : vector<4xf32> to vector<4x1xf32>
      %eq3A_76 = vector.broadcast %broadcast_in_dim3A_75 : vector<4x1xf32> to vector<4x16xf32>
      %eq3A_77 = arith.cmpf oeq, %select_n3A_72, %eq3A_76 : vector<4x16xf32>
      %jit3A_78 = arith.constant 16 : i32
      %broadcast_in_dim3A_79 = vector.broadcast %jit3A_78 : i32 to vector<4x16xi32>
      %select_n3A_80 = arith.select %eq3A_77, %iota3A, %broadcast_in_dim3A_79 : vector<4x16xi1>, vector<4x16xi32>
      %reduce_min3A_81 = arith.constant dense<2147483647> : vector<4xi32>
      %reduce_min3A_82 = vector.multi_reduction <minsi>, %select_n3A_80, %reduce_min3A_81 [1] : vector<4x16xi32> to vector<4xi32>
      %broadcast_in_dim3A_83 = vector.shape_cast %reduce_min3A_82 : vector<4xi32> to vector<4x1xi32>
      %eq3A_84 = vector.broadcast %broadcast_in_dim3A_67 : vector<4x1xi32> to vector<4x16xi32>
      %eq3A_85 = arith.cmpi eq, %iota3A, %eq3A_84 : vector<4x16xi32>
      %eq3A_86 = vector.broadcast %broadcast_in_dim3A_83 : vector<4x1xi32> to vector<4x16xi32>
      %eq3A_87 = arith.cmpi eq, %iota3A, %eq3A_86 : vector<4x16xi32>
      %or3A = arith.ori %eq3A_85, %eq3A_87 : vector<4x16xi1>
      %sub3A_88 = vector.broadcast %broadcast_in_dim3A_60 : vector<4x1xf32> to vector<4x16xf32>
      %sub3A_89 = arith.subf %concatenate3A, %sub3A_88 : vector<4x16xf32>
      %exp3A = math.exp %sub3A_89 : vector<4x16xf32>
      %jit3A_90 = arith.constant 0.000000e+00 : f32
      %broadcast_in_dim3A_91 = vector.broadcast %jit3A_90 : f32 to vector<4x16xf32>
      %select_n3A_92 = arith.select %or3A, %exp3A, %broadcast_in_dim3A_91 : vector<4x16xi1>, vector<4x16xf32>
      %reduce_sum3A_93 = arith.constant dense<0.000000e+00> : vector<4xf32>
      %reduce_sum3A_94 = vector.multi_reduction <add>, %select_n3A_92, %reduce_sum3A_93 [1] : vector<4x16xf32> to vector<4xf32>
      %broadcast_in_dim3A_95 = vector.shape_cast %reduce_sum3A_94 : vector<4xf32> to vector<4x1xf32>
      %div3A_96 = vector.broadcast %broadcast_in_dim3A_95 : vector<4x1xf32> to vector<4x16xf32>
      %div3A_97 = arith.divf %select_n3A_92, %div3A_96 : vector<4x16xf32>
      %get3A_98 = arith.constant 0 : index
      %get3A_99 = arith.constant 0 : index
      %get3A_100 = vector.load %arg6[%get3A_98, %get3A_99] : memref<1x1xf32, #tpu.memory_space<vmem>>, vector<1x1xf32>
      %get3A_101 = vector.extract %get3A_100[0, 0] : f32 from vector<1x1xf32>
      %mul3A_102 = vector.broadcast %get3A_101 : f32 to vector<4x16xf32>
      %mul3A_103 = arith.mulf %div3A_97, %mul3A_102 : vector<4x16xf32>
      %swap3A_104 = arith.constant 0 : index
      %swap3A_105 = arith.constant 0 : index
      %swap3A_106 = vector.load %arg7[%swap3A_104, %swap3A_105] : memref<4x16xf32, #tpu.memory_space<vmem>>, vector<4x16xf32>
      tpu.vector_store %arg7[%swap3A_104, %swap3A_105], %mul3A_103 {strides = array<i32>} : memref<4x16xf32, #tpu.memory_space<vmem>>, vector<4x16xf32>,
    } else {
    }
    return
  }
  func.func @transform_0(%arg0: i32) -> (i32, i32) {
    %c0_i32 = arith.constant 0 : i32
    %c0_i32_0 = arith.constant 0 : i32
    return %arg0, %c0_i32 : i32, i32
  }
  func.func @transform_1(%arg0: i32) -> (i32, i32) {
    %c0_i32 = arith.constant 0 : i32
    %c0_i32_0 = arith.constant 0 : i32
    %c0_i32_1 = arith.constant 0 : i32
    return %c0_i32, %c0_i32_0 : i32, i32
  }
  func.func @transform_2(%arg0: i32) -> (i32, i32) {
    %c0_i32 = arith.constant 0 : i32
    %c0_i32_0 = arith.constant 0 : i32
    %c0_i32_1 = arith.constant 0 : i32
    return %c0_i32, %c0_i32_0 : i32, i32
  }
  func.func @transform_3(%arg0: i32) -> (i32, i32) {
    %c0_i32 = arith.constant 0 : i32
    %c0_i32_0 = arith.constant 0 : i32
    %c0_i32_1 = arith.constant 0 : i32
    return %c0_i32, %c0_i32_0 : i32, i32
  }
  func.func @transform_4(%arg0: i32) -> (i32, i32) {
    %c0_i32 = arith.constant 0 : i32
    %c0_i32_0 = arith.constant 0 : i32
    %c0_i32_1 = arith.constant 0 : i32
    return %c0_i32, %c0_i32_0 : i32, i32
  }
  func.func @transform_5(%arg0: i32) -> (i32, i32) {
    %c0_i32 = arith.constant 0 : i32
    %c0_i32_0 = arith.constant 0 : i32
    %c0_i32_1 = arith.constant 0 : i32
    return %c0_i32, %c0_i32_0 : i32, i32
  }
  func.func @transform_6(%arg0: i32) -> (i32, i32) {
    %c0_i32 = arith.constant 0 : i32
    %c0_i32_0 = arith.constant 0 : i32
    %c0_i32_1 = arith.constant 0 : i32
    return %c0_i32, %c0_i32_0 : i32, i32
  }
}

module attributes {stable_mosaic.version = 14 : i64} {
  func.func @_apply_body(%arg0: i32, %arg1: memref<4x256x2048xf32, #tpu.memory_space<vmem>>, %arg2: memref<4x2048xf32, #tpu.memory_space<vmem>>, %arg3: memref<4x256x2048xf32, #tpu.memory_space<vmem>>) attributes {dimension_semantics = [#tpu.dimension_semantics<parallel>], iteration_bounds = array<i64: 16>, scalar_prefetch = 0 : i64, scratch_operands = 0 : i64, tpu.core_type = #tpu.core_type<tc>, window_params = [{transform_indices = @transform_0, window_bounds = array<i64: 4, 256, 2048>}, {pipeline_mode = #tpu.pipeline_mode<synchronous>, transform_indices = @transform_1, window_bounds = array<i64: 4, 2048>}, {transform_indices = @transform_2, window_bounds = array<i64: 4, 256, 2048>}]} {
    %get3A = arith.constant 0 : index
    %get3A_0 = arith.constant 0 : index
    %get3A_1 = arith.constant 0 : index
    %get3A_2 = vector.load %arg1[%get3A, %get3A_0, %get3A_1] : memref<4x256x2048xf32, #tpu.memory_space<vmem>>, vector<4x256x2048xf32>
    %get3A_3 = arith.constant 0 : index
    %get3A_4 = arith.constant 0 : index
    %get3A_5 = vector.load %arg2[%get3A_3, %get3A_4] : memref<4x2048xf32, #tpu.memory_space<vmem>>, vector<4x2048xf32>
    %broadcast_in_dim3A = vector.shape_cast %get3A_5 : vector<4x2048xf32> to vector<4x1x2048xf32>
    %add3A = vector.broadcast %broadcast_in_dim3A : vector<4x1x2048xf32> to vector<4x256x2048xf32>
    %add3A_6 = arith.addf %get3A_2, %add3A : vector<4x256x2048xf32>
    %swap3A = arith.constant 0 : index
    %swap3A_7 = arith.constant 0 : index
    %swap3A_8 = arith.constant 0 : index
    %swap3A_9 = vector.load %arg3[%swap3A, %swap3A_7, %swap3A_8] : memref<4x256x2048xf32, #tpu.memory_space<vmem>>, vector<4x256x2048xf32>
    tpu.vector_store %arg3[%swap3A, %swap3A_7, %swap3A_8], %add3A_6 {strides = array<i32>} : memref<4x256x2048xf32, #tpu.memory_space<vmem>>, vector<4x256x2048xf32>,
    return
  }
  func.func @transform_0(%arg0: i32) -> (i32, i32, i32) {
    %c0_i32 = arith.constant 0 : i32
    %c0_i32_0 = arith.constant 0 : i32
    %c0_i32_1 = arith.constant 0 : i32
    return %c0_i32, %arg0, %c0_i32_0 : i32, i32, i32
  }
  func.func @transform_1(%arg0: i32) -> (i32, i32) {
    %c0_i32 = arith.constant 0 : i32
    %c0_i32_0 = arith.constant 0 : i32
    %c0_i32_1 = arith.constant 0 : i32
    return %c0_i32, %c0_i32_0 : i32, i32
  }
  func.func @transform_2(%arg0: i32) -> (i32, i32, i32) {
    %c0_i32 = arith.constant 0 : i32
    %c0_i32_0 = arith.constant 0 : i32
    %c0_i32_1 = arith.constant 0 : i32
    return %c0_i32, %arg0, %c0_i32_0 : i32, i32, i32
  }
}

</mosaic_0001>

<sc_bundles>
// kernel: kernel.5.cloned.1.call-start
scs
__scs_entry_jumppad:
0x0: {  	(pc) =	sbr.rel $0x88, $3  }
0x1: {  	(tag) =	ssettag $0x0;
	lr =	simm.s32 $0x1  }
0x2: {  	[smem:$0x3F9A] =	sst lr;
	_ =	strace $0xD0000000  }
0x3: {  	_ = 	snop  }
0x4: {  	_ = 	snop  }
0x5: {  	_ = 	snop  }
0x6: {  	_ = 	snop  }
0x7: {  	_ = 	snop  }
__scs_overlays_trampoline_lowered:
0x8: {  	[smem:$0x3FA9] =	sst s0  }
0x9: {  	[smem:$0x3FAA] =	sst s1  }
0xa: {  	[smem:$0x3FAB] =	sst s2  }
0xb: {  	[smem:$0x3FAC] =	sst s3  }
0xc: {  	[smem:$0x3FAD] =	sst s4  }
0xd: {  	[smem:$0x3FAE] =	sst s5  }
0xe: {  	[smem:$0x3FAF] =	sst s6  }
0xf: {  	[smem:$0x3FB0] =	sst s7  }
0x10: {  	[smem:$0x3FB1] =	sst s8  }
0x11: {  	[smem:$0x3FB2] =	sst s9;
	s0 =	simm.s32 @!p0 $0x0  }
0x12: {  	s1 =	sld [smem:$0x3F98];
	s0 =	simm.s32 @p0 $0x1  }
0x13: {  	[smem:$0x3FB3] =	sst s0;
	s0 =	simm.s32 @!p1 $0x0  }
0x14: {  	s2 =	sld [smem:$0x3F97];
	s0 =	simm.s32 @p1 $0x1  }
0x15: {  	[smem:$0x3FB4] =	sst s0;
	s0 =	simm.s32 @!p2 $0x0  }
0x16: {  	s3 =	sld [smem:$0x3FDB];
	s0 =	simm.s32 @p2 $0x1  }
0x17: {  	s4 =	simm.s32 $0x1BF5;
	[smem:$0x3FB6] =	sst s0  }
0x18: {  	s0 =	sld [smem:$0x3F99];
	_ =	swait.ge [sflag:s4], $0x0  }
0x19: {  	s7 =	sld [smem:$0x3F9A]  }
0x1a: {  	s8 =	sadd.s32 $0xFFFFE003, lr  }
0x1b: {  	s9 =	sadd.s32 $0xFFFFFEF7, lr;
	s5 =	simm.s32 $0xFFFFFFFF;
	p2 =	slt.u32 s8, $0xFFFFF086  }
0x1c: {  	p1 =	slt.u32 s9, $0xF7A;
	s5 =	simm.s32 @!p2 $0x0  }
0x1d: {  	s5 =	simm.s32 @p1 $0x1;
	p0 =	seq.s32 s7, s2  }
0x1e: {  	s7 =	smul.u32 @!p0 $0xF7A, s2;
	p2 =	seq.s32 @!p0 s5, $0x0  }
0x1f: {  	s9 =	smul.u32 $0xF7A, s1;
	s8 =	simm.s32 @!p0 $0x1BF5;
	p2 =	por !p2, p0  }
0x20: {  	[sflag:s8] =	ssyncset.s32 @!p0 $0xFFFFF086;
	s6 =	sadd.s32 @!p0 s3, s7;
	s7 =	simm.s32 @!p0 $0x108  }
0x21: {  	s3 =	sadd.s32 s3, s9;
	s6 =	sadd.s32 @!p0 $0x88, s6;
	s7 =	simm.s32 @p2 $0x1082  }
0x22: {  	[simem:s7], [sflag:s8] =	dma.local @!p0 [hbm:s6], $0xF7A  }
0x23: {  	s9 =	sor.u32 $0xD0000000, s2;
	s6 =	simm.s32 $0x108;
	_ =	swait.ge @!p0 [sflag:s8], $0x0  }
0x24: {  	s3 =	sadd.s32 $0x88, s3;
	s6 =	simm.s32 @!p1 $0x1082;
	[sflag:s4] =	ssyncset.s32 $0xFFFFF086  }
0x25: {  	[simem:s6], [sflag:s4] =	dma.local [hbm:s3], $0xF7A  }
0x26: {  	[smem:$0x3F9A] =	sst s1;
	(tag) =	ssettag s2;
	_ =	strace s9  }
0x27: {  	s1 =	sld [smem:$0x3FAA]  }
0x28: {  	s2 =	sld [smem:$0x3FAB]  }
0x29: {  	s4 =	sld [smem:$0x3FAD]  }
0x2a: {  	p0 =	seq.s32 s5, $0x0;
	s5 =	sld [smem:$0x3FAE]  }
0x2b: {  	s6 =	sld [smem:$0x3FAF]  }
0x2c: {  	s7 =	sld [smem:$0x3FB0]  }
0x2d: {  	s3 =	simm.s32 $0x108;
	s8 =	sld [smem:$0x3FB1]  }
0x2e: {  	s3 =	simm.s32 @!p0 $0x1082;
	s9 =	sld [smem:$0x3FB2]  }
0x2f: {  	lr =	sadd.s32 s0, s3;
	s0 =	sld [smem:$0x3FA9]  }
0x30: {  	s3 =	sld [smem:$0x3FAC]  }
0x31: {  	[smem:$0x3FB5] =	sst s10  }
0x32: {  	s10 =	sld [smem:$0x3FB3];
	_ =	sdelay $0x3  }
0x33: {  	p0 =	seq.s32 s10, $0x1;
	s10 =	sld [smem:$0x3FB5];
	_ =	sdelay $0x3  }
0x34: {  	[smem:$0x3FB5] =	sst s10  }
0x35: {  	s10 =	sld [smem:$0x3FB4];
	_ =	sdelay $0x3  }
0x36: {  	p1 =	seq.s32 s10, $0x1;
	s10 =	sld [smem:$0x3FB5];
	_ =	sdelay $0x3  }
0x37: {  	[smem:$0x3FB5] =	sst s10  }
0x38: {  	s10 =	sld [smem:$0x3FB6]  }
0x39: {  	_ = 	snop;
	(pc) =	sbr.ind lr, $3  }
0x3a: {  	_ = 	snop  }
0x3b: {  	_ = 	snop  }
0x3c: {  	p2 =	seq.s32 s10, $0x1;
	s10 =	sld [smem:$0x3FB5]  }
0x3d: {  	_ =	shalt  }
0x3e: {  	_ =	shalt  }
0x3f: {  	_ =	shalt  }
0x40: {  	_ =	shalt  }
0x41: {  	_ =	shalt  }
0x42: {  	_ =	shalt  }
0x43: {  	_ =	shalt  }
0x44: {  	_ =	shalt  }
0x45: {  	_ =	shalt  }
0x46: {  	_ =	shalt  }
0x47: {  	_ =	shalt  }
0x48: {  	_ =	shalt  }
0x49: {  	_ =	shalt  }
0x4a: {  	_ =	shalt  }
0x4b: {  	_ =	shalt  }
0x4c: {  	_ =	shalt  }
0x4d: {  	_ =	shalt  }
0x4e: {  	_ =	shalt  }
0x4f: {  	_ =	shalt  }
0x50: {  	_ =	shalt  }
0x51: {  	_ =	shalt  }
0x52: {  	_ =	shalt  }
0x53: {  	_ =	shalt  }
0x54: {  	_ =	shalt  }
0x55: {  	_ =	shalt  }
0x56: {  	_ =	shalt  }
0x57: {  	_ =	shalt  }
0x58: {  	_ =	shalt  }
0x59: {  	_ =	shalt  }
0x5a: {  	_ =	shalt  }
0x5b: {  	_ =	shalt  }
0x5c: {  	_ =	shalt  }
0x5d: {  	_ =	shalt  }
0x5e: {  	_ =	shalt  }
0x5f: {  	_ =	shalt  }
0x60: {  	_ =	shalt  }
0x61: {  	_ =	shalt  }
0x62: {  	_ =	shalt  }
0x63: {  	_ =	shalt  }
0x64: {  	_ =	shalt  }
0x65: {  	_ =	shalt  }
0x66: {  	_ =	shalt  }
0x67: {  	_ =	shalt  }
0x68: {  	_ =	shalt  }
0x69: {  	_ =	shalt  }
0x6a: {  	_ =	shalt  }
0x6b: {  	_ =	shalt  }
0x6c: {  	_ =	shalt  }
0x6d: {  	_ =	shalt  }
0x6e: {  	_ =	shalt  }
0x6f: {  	_ =	shalt  }
0x70: {  	_ =	shalt  }
0x71: {  	_ =	shalt  }
0x72: {  	_ =	shalt  }
0x73: {  	_ =	shalt  }
0x74: {  	_ =	shalt  }
0x75: {  	_ =	shalt  }
0x76: {  	_ =	shalt  }
0x77: {  	_ =	shalt  }
0x78: {  	_ =	shalt  }
0x79: {  	_ =	shalt  }
0x7a: {  	_ =	shalt  }
0x7b: {  	_ =	shalt  }
0x7c: {  	_ =	shalt  }
0x7d: {  	_ =	shalt  }
0x7e: {  	_ =	shalt  }
0x7f: {  	_ =	shalt  }
0x80: {  	_ =	shalt  }
0x81: {  	_ =	shalt  }
0x82: {  	_ =	shalt  }
0x83: {  	_ =	shalt  }
0x84: {  	_ =	shalt  }
0x85: {  	_ =	shalt  }
0x86: {  	_ =	shalt  }
0x87: {  	_ =	shalt  }
.Lfunc_end0:
.L_simem_size_0:
called_computation_lowered:
.L_overlay_start_0:
0x88: {  	s2 =	sld [smem:$0x3FD9]  }
0x89: {  	s3 =	sld [smem:$0x3FFE];
	_ =	sdelay $0x1  }
0x8a: {  	s1 =	srdreg.scid  }
0x8b: {  	s0 =	sand.u32 $0x1, s1  }
0x8c: {  	s17 =	sshll.u32 s0, $0xA;
	s2 =	sadd.s32 s3, s2  }
0x8d: {  	s2 =	sadd.s32 s2, s17  }
0x8e: {  	[smem:$0x3FC1] =	sst s2  }
0x8f: {  	_ = 	snop  }
0x90: {  	s2 =	sld [smem:$0x3FC4]  }
0x91: {  	s18 =	sld [smem:$0x3FD0];
	(tm) =	ssettm $0x1  }
0x92: {  	s4 =	sld [smem:$0x3FFB];
	_ =	sdelay $0x3  }
0x93: {  	_ =	strace s4  }
0x94: {  	s4 =	sld [smem:$0x3FFC];
	_ =	sdelay $0x3  }
0x95: {  	_ =	strace s4  }
0x96: {  	s4 =	sld [smem:$0x3FFD];
	_ =	sdelay $0x3  }
0x97: {  	_ =	strace s4  }
0x98: {  	_ =	strace $0x8FFFFFFF  }
0x99: {  	s19 =	sld [smem:$0x3FDB];
	_ =	sdelay $0x1  }
0x9a: {  	s5 =	simm.s32 $_scs_section_size  }
0x9b: {  	s6 =	simm.s32 $_size__tile_overlayer_lowered;
	s7 =	simm.s32 $_tile_overlayer_lowered  }
0x9c: {  	s22 =	simm.s32 $0x1BFF;
	s21 =	sshll.u32 s7, $0x1;
	s4 =	sadd.s32 s5, s19  }
0x9d: {  	s8 =	simm.s32 $0x0;
	s20 =	sshll.u32 s6, $0x1;
	s6 =	sadd.s32 s21, s4  }
0x9e: {  	[timem:s8], [sflag:s22] =	dma.local [hbm:s6], s20  }
0x9f: {  	_ =	swait.ge [sflag:s22], s20  }
0xa0: {  	s5 =	ssub.s32 $0x0, s20;
	[sflag:s22] =	ssyncset.done $0x0  }
0xa1: {  	[sflag:s22] =	ssyncadd.s32 s5;
	_ =	sdelay $0x1  }
0xa2: {  	s23 =	simm.s32 $0x1B8B  }
0xa3: {  	_ =	swait.ge [sflag:s23], $0x1  }
0xa4: {  	[sflag:s23] =	ssyncset.done $0x0  }
0xa5: {  	s25 =	simm.s32 $0x1B8E;
	s24 =	sld [smem:$0x3FFE];
	[sflag:s23] =	ssyncadd.s32 $0xFFFFFFFF  }
0xa6: {  	s26 =	simm.s32 $execute0_lowered;
	[smem:$0x3FD2] =	sst s25  }
0xa7: {  	s6 =	sshll.u32 s26, $0x1;
	_ =	strace $0x80000046;
	[dreg:$0x1] =	wrdreg $0xFFFFFFFF  }
0xa8: {  	s28 =	simm.s32 $_size_execute0_lowered;
	s4 =	sadd.s32 s4, s6;
	[dreg:$0x0] =	wrdreg $0x0  }
0xa9: {  	s6 =	sshll.u32 s28, $0x1;
	[dreg:$0x2] =	wrdreg s4  }
0xaa: {  	[dreg:$0x3] =	wrdreg s6  }
0xab: {  	[dreg:$0x4] =	wrdreg $0xC0  }
0xac: {  	_ =	task [dreg:s8], $0x5FFFF  }
0xad: {  	[dreg:$0x1] =	wrdreg $0xFFFFFFFF  }
0xae: {  	[dreg:$0x0] =	wrdreg $0x60  }
0xaf: {  	[dreg:$0x2] =	wrdreg s24  }
0xb0: {  	[dreg:$0x3] =	wrdreg s2  }
0xb1: {  	[dreg:$0x4] =	wrdreg s18  }
0xb2: {  	[dreg:$0x5] =	wrdreg $0x9  }
0xb3: {  	_ =	task.clear_ibuf [dreg:s8], $0x6FFFF;
	_ =	strace $0x90000046  }
0xb4: {  	s29 =	simm.s32 $0x9;
	_ =	strace $0x80000048  }
0xb5: {  	_ =	swait.ge [sflag:s29], $0x1  }
0xb6: {  	[sflag:s29] =	ssyncadd.s32 $0xFFFFFFFF  }
0xb7: {  	_ =	strace $0x90000048  }
0xb8: {  	_ =	sfence  }
0xb9: {  	s30 =	sld [smem:$0x0];
	_ =	sdelay $0x2  }
0xba: {  	s31 =	sshll.u32 s1, $0xD;
	s1 =	sshrl.u32 s1, $0x2  }
0xbb: {  	s3 =	sand.u32 $0x4000, s31;
	s1 =	sadd.s32 s1, s30  }
0xbc: {  	s0 =	sor.u32 s3, s0;
	s1 =	sshll.u32 s1, $0x11  }
0xbd: {  	s0 =	sor.u32 s1, s0  }
0xbe: {  	s0 =	sadd.s32 $0x8F2B, s0  }
0xbf: {  	[sflag:s0] =	ssyncadd.remote.s32 $0x1  }
0xc0: {  	_ =	sfence.sel $0xFFFF  }
0xc1: {  	[dreg:$0x0] =	wrdreg $0xFFFFFFFF;
	(pc) =	sbr.abs _section_cstart, $3  }
0xc2: {  	[dreg:$0x1] =	wrdreg $0xFFFFFFFF  }
0xc3: {  	_ =	task.clear_ibuf [dreg:s8], $0x2FFFF;
	_ =	strace $0x9FFFFFFF  }
0xc4: {  	(tm) =	ssettm $0x7FFFFFFF  }
0xc5: {  	_ =	shalt  }
tec
execute0_lowered:
.L_overlay_start_1:
0x0: {  	(tag) =	ssettag $0x1  }
0x1: {  	s3 =	rddreg [dreg:$0x0]  }
0x2: {  	s4 =	rddreg [dreg:$0x1]  }
0x3: {  	s5 =	rddreg [dreg:$0x2]  }
0x4: {  	s0 =	rddreg [dreg:$0x3];
	s2 =	simm.s32 $0x0;
	s1 =	stileid.u32  }
0x5: {  	s7 =	srdreg.scid;
	[smem:$0x7FF] =	sst s2  }
0x6: {  	s6 =	sshll.u32 s1, $0x5;
	s8 =	sshll.u32 s1, $0x1;
	s7 =	sand.u32 $0x1, s7  }
0x7: {  	_ =	strace $0x80000047;
	s6 =	sand.u32 $0x180, s6;
	s8 =	sand.u32 $0x6, s8  }
0x8: {  	s10 =	ssub.s32 $0x2, s7;
	s9 =	sshrl.u32 s6, $0x3;
	s7 =	sor.u32 s7, s8  }
0x9: {  	s30 =	sshrl.u32 s10, $0x1;
	s3 =	sadd.s32 s9, s3;
	s31 =	sshll.u32 s7, $0xA  }
0xa: {  	s8 =	ssub.s32 s10, s30;
	s7 =	sshll.u32 s7, $0x8;
	s9 =	simm.s32 $0x200  }
0xb: {  	s10 =	simm.s32 $0x880;
	s6 =	sor.u32 s6, s31;
	s3 =	sadd.s32 $0xC00, s3  }
0xc: {  	s4 =	sadd.s32 s4, s7;
	s7 =	simm.s32 $0x1;
	s6 =	sshrl.u32 s6, $0x3  }
0xd: {  	s5 =	sadd.s32 s5, s6;
	s6 =	smax.u32 s8, $0x1;
	s8 =	simm.s32 $0x80  }
.LBB2_1:
0xe: {  	[tilespmem:s2], [sflag:$0x1] =	stream.linear.gather [hbm4b:s3+s2], $0x80, $0x38;
	[tilespmem:$0x980] =	vst v63  }
0xf: {  	_ =	swait.ge [sflag:s7], $0x80  }
0x10: {  	[sflag:s7] =	ssyncset.done $0x0  }
0x11: {  	[sflag:s7] =	ssyncadd.s32 $0xFFFFFF80  }
0x12: {  	[tilespmem:s8], [sflag:$0x1] =	stream.linear.gather [hbm4b:s4+s2], $0x800, $0x38;
	[tilespmem:$0x980] =	vst v63  }
0x13: {  	_ =	swait.ge [sflag:s7], $0x800  }
0x14: {  	[sflag:s7] =	ssyncset.done $0x0  }
0x15: {  	[sflag:s7] =	ssyncadd.s32 $0xFFFFF800  }
0x16: {  	v3 =	vld [tilespmem:$0x0]  }
0x17: {  	v0 =	vld [tilespmem:$0x80]  }
0x18: {  	v1 =	vld [tilespmem:$0x100]  }
0x19: {  	v2 =	vld [tilespmem:$0x180]  }
0x1a: {  	v8 =	vld [tilespmem:$0x200]  }
0x1b: {  	v9 =	vld [tilespmem:$0x280]  }
0x1c: {  	v11 =	vld [tilespmem:$0x300]  }
0x1d: {  	v14 =	vld [tilespmem:$0x380]  }
0x1e: {  	v17 =	vld [tilespmem:$0x400]  }
0x1f: {  	v13 =	vld [tilespmem:$0x90]  }
0x20: {  	v16 =	vld [tilespmem:$0x110]  }
0x21: {  	v18 =	vld [tilespmem:$0x190]  }
0x22: {  	v19 =	vld [tilespmem:$0x210]  }
0x23: {  	v20 =	vld [tilespmem:$0x290]  }
0x24: {  	v21 =	vld [tilespmem:$0x310]  }
0x25: {  	v22 =	vld [tilespmem:$0x390]  }
0x26: {  	v23 =	vld [tilespmem:$0x410]  }
0x27: {  	v24 =	vld [tilespmem:$0xA0]  }
0x28: {  	v25 =	vld [tilespmem:$0x120]  }
0x29: {  	v26 =	vld [tilespmem:$0x1A0]  }
0x2a: {  	v27 =	vld [tilespmem:$0x220]  }
0x2b: {  	v28 =	vld [tilespmem:$0x2A0]  }
0x2c: {  	v29 =	vld [tilespmem:$0x320]  }
0x2d: {  	v30 =	vld [tilespmem:$0x3A0]  }
0x2e: {  	v10 =	vld [tilespmem:$0x420]  }
0x2f: {  	v31 =	vld [tilespmem:$0xB0]  }
0x30: {  	v32 =	vld [tilespmem:$0x130]  }
0x31: {  	v33 =	vld [tilespmem:$0x1B0]  }
0x32: {  	v34 =	vld [tilespmem:$0x230]  }
0x33: {  	v35 =	vld [tilespmem:$0x2B0]  }
0x34: {  	v36 =	vld [tilespmem:$0x330]  }
0x35: {  	v37 =	vld [tilespmem:$0x3B0]  }
0x36: {  	v38 =	vld [tilespmem:$0x430]  }
0x37: {  	v39 =	vld [tilespmem:$0xC0]  }
0x38: {  	v40 =	vld [tilespmem:$0x140]  }
0x39: {  	v41 =	vld [tilespmem:$0x1C0]  }
0x3a: {  	v42 =	vld [tilespmem:$0x240]  }
0x3b: {  	v43 =	vld [tilespmem:$0x2C0]  }
0x3c: {  	v44 =	vld [tilespmem:$0x340]  }
0x3d: {  	v15 =	vld [tilespmem:$0x3C0]  }
0x3e: {  	v12 =	vld [tilespmem:$0x440]  }
0x3f: {  	v45 =	vld [tilespmem:$0xD0]  }
0x40: {  	v46 =	vld [tilespmem:$0x150]  }
0x41: {  	v47 =	vld [tilespmem:$0x1D0]  }
0x42: {  	v48 =	vld [tilespmem:$0x250];
	v7 =	vbroadcast v3, $0x0  }
0x43: {  	v49 =	vld [tilespmem:$0x2D0];
	v6 =	vbroadcast v3, $0x1;
	v5 =	vbroadcast v3, $0x2  }
0x44: {  	v50 =	vld [tilespmem:$0x350];
	v4 =	vbroadcast v3, $0x3;
	v0 =	vmul.f32 v0, v7  }
0x45: {  	v51 =	vld [tilespmem:$0x3D0];
	v1 =	vmul.f32 v1, v6;
	v59 =	vmul.f32 v2, v5  }
0x46: {  	v52 =	vld [tilespmem:$0xE0];
	v60 =	vmul.f32 v8, v4;
	v61 =	vmul.f32 v13, v7  }
0x47: {  	v2 =	vbroadcast v3, $0x4;
	v58 =	vmul.f32 v24, v7;
	v24 =	vld [tilespmem:$0xF0];
	v0 =	vadd.f32 $0.0e+00, v0  }
0x48: {  	v53 =	vld [tilespmem:$0x160];
	v16 =	vmul.f32 v16, v6;
	v62 =	vmul.f32 v18, v5;
	v8 =	vadd.f32 $0.0e+00, v61  }
0x49: {  	v54 =	vld [tilespmem:$0x1E0];
	v57 =	vmul.f32 v19, v4;
	v39 =	vmul.f32 v39, v7;
	v0 =	vadd.f32 v1, v0  }
0x4a: {  	v55 =	vld [tilespmem:$0x260];
	v46 =	vmul.f32 v46, v6;
	v9 =	vmul.f32 v9, v2;
	v8 =	vadd.f32 v16, v8  }
0x4b: {  	v56 =	vld [tilespmem:$0x2E0];
	v19 =	vadd.f32 $0.0e+00, v58;
	v58 =	vmul.f32 v27, v4;
	v0 =	vadd.f32 v59, v0  }
0x4c: {  	v13 =	vld [tilespmem:$0x450];
	v24 =	vmul.f32 v24, v7;
	v8 =	vadd.f32 v62, v8;
	v59 =	vmul.f32 v20, v2  }
0x4d: {  	v18 =	vld [tilespmem:$0x360];
	v62 =	vmul.f32 v31, v7;
	v1 =	vadd.f32 v60, v0;
	v0 =	vbroadcast v3, $0x5  }
0x4e: {  	v27 =	vld [tilespmem:$0x2F0];
	v8 =	vadd.f32 v57, v8;
	v60 =	vmul.f32 v25, v6;
	v57 =	vmul.f32 v32, v6  }
0x4f: {  	v16 =	vld [tilespmem:$0x3E0];
	v9 =	vadd.f32 v9, v1;
	v11 =	vmul.f32 v11, v0;
	v1 =	vbroadcast v3, $0x6  }
0x50: {  	v31 =	vld [tilespmem:$0x470];
	v3 =	vbroadcast v3, $0x7;
	v61 =	vmul.f32 v21, v0;
	v19 =	vadd.f32 v60, v19  }
0x51: {  	v25 =	vld [tilespmem:$0x170];
	v21 =	vadd.f32 $0.0e+00, v62;
	v60 =	vmul.f32 v33, v5;
	v62 =	vmul.f32 v34, v4  }
0x52: {  	v32 =	vld [tilespmem:$0x270];
	v8 =	vadd.f32 v59, v8;
	v18 =	vmul.f32 v18, v0;
	v63 =	vmul.f32 v14, v1  }
0x53: {  	v33 =	vld [tilespmem:$0x480];
	v9 =	vadd.f32 v11, v9;
	v17 =	vmul.f32 v17, v3;
	v22 =	vmul.f32 v22, v1  }
0x54: {  	v34 =	vld [tilespmem:$0x610];
	v11 =	vadd.f32 v61, v8;
	v61 =	vmul.f32 v28, v2;
	v23 =	vmul.f32 v23, v3  }
0x55: {  	v24 =	vadd.f32 $0.0e+00, v24;
	v14 =	vld [tilespmem:$0x460];
	v30 =	vmul.f32 v30, v1;
	v37 =	vmul.f32 v37, v1  }
0x56: {  	v59 =	vadd.f32 v57, v21;
	v21 =	vld [tilespmem:$0x370];
	v10 =	vmul.f32 v10, v3;
	v38 =	vmul.f32 v38, v3  }
0x57: {  	v28 =	vld [tilespmem:$0x490];
	v15 =	vmul.f32 v15, v1;
	v9 =	vadd.f32 v63, v9;
	v63 =	vmul.f32 v26, v5  }
0x58: {  	v12 =	vmul.f32 v12, v3;
	v16 =	vmul.f32 v16, v1;
	v26 =	vld [tilespmem:$0x1F0];
	v11 =	vadd.f32 v22, v11  }
0x59: {  	v31 =	vmul.f32 v31, v3;
	v25 =	vmul.f32 v25, v6;
	v22 =	vld [tilespmem:$0x3F0];
	v19 =	vadd.f32 v63, v19  }
0x5a: {  	v34 =	vmul.f32 v34, v4;
	v8 =	vadd.f32 v17, v9;
	v9 =	vadd.f32 v23, v11;
	v23 =	vld [tilespmem:$0x500]  }
0x5b: {  	v17 =	vadd.f32 v60, v59;
	v63 =	vmul.f32 v29, v0;
	v59 =	vadd.f32 $0.0e+00, v39;
	v29 =	vld [tilespmem:$0x580]  }
0x5c: {  	v60 =	vmul.f32 v40, v6;
	v39 =	vld [tilespmem:$0x700];
	v14 =	vmul.f32 v14, v3;
	v19 =	vadd.f32 v58, v19  }
0x5d: {  	v40 =	vld [tilespmem:$0x780];
	v57 =	vadd.f32 v62, v17;
	v58 =	vmul.f32 v35, v2;
	v62 =	vmul.f32 v45, v7  }
0x5e: {  	v35 =	vld [tilespmem:$0x600];
	v20 =	vadd.f32 v60, v59;
	v59 =	vmul.f32 v47, v5;
	v47 =	vmul.f32 v52, v7  }
0x5f: {  	v17 =	vld [tilespmem:$0x800];
	v52 =	vadd.f32 v25, v24;
	v22 =	vmul.f32 v22, v1;
	v19 =	vadd.f32 v61, v19  }
0x60: {  	v25 =	vld [tilespmem:$0x520];
	v11 =	vadd.f32 v58, v57;
	v61 =	vmul.f32 v36, v0;
	v57 =	vmul.f32 v42, v4  }
0x61: {  	v24 =	vld [tilespmem:$0x720];
	v45 =	vadd.f32 $0.0e+00, v62;
	v62 =	vmul.f32 v48, v4;
	v48 =	vmul.f32 v50, v0  }
0x62: {  	v36 =	vld [tilespmem:$0x680];
	v50 =	vmul.f32 v51, v1;
	v51 =	vmul.f32 v54, v5;
	v19 =	vadd.f32 v63, v19  }
0x63: {  	v42 =	vld [tilespmem:$0x710];
	v63 =	vmul.f32 v41, v5;
	v11 =	vadd.f32 v61, v11;
	v61 =	vmul.f32 v43, v2  }
0x64: {  	v58 =	vadd.f32 v46, v45;
	v41 =	vld [tilespmem:$0x510];
	v46 =	vmul.f32 v49, v2;
	v49 =	vmul.f32 v53, v6  }
0x65: {  	v43 =	vld [tilespmem:$0x590];
	v53 =	vmul.f32 v26, v5;
	v25 =	vmul.f32 v25, v6;
	v20 =	vadd.f32 v63, v20  }
0x66: {  	v19 =	vadd.f32 v30, v19;
	v30 =	vadd.f32 v59, v58;
	v63 =	vmul.f32 v44, v0;
	v44 =	vld [tilespmem:$0x5A0]  }
0x67: {  	v37 =	vadd.f32 v37, v11;
	v58 =	vmul.f32 v32, v4;
	v32 =	vld [tilespmem:$0x620];
	v60 =	vadd.f32 v57, v20  }
0x68: {  	v17 =	vmul.f32 v17, v3;
	v11 =	vadd.f32 v10, v19;
	v45 =	vadd.f32 v62, v30;
	v30 =	vld [tilespmem:$0x810]  }
0x69: {  	v59 =	vmul.f32 v13, v3;
	v10 =	vadd.f32 v38, v37;
	v37 =	vadd.f32 $0.0e+00, v47;
	v47 =	vld [tilespmem:$0x4A0]  }
0x6a: {  	v57 =	vmul.f32 v55, v4;
	v62 =	vmul.f32 v27, v2;
	v55 =	vld [tilespmem:$0x5B0];
	v20 =	vadd.f32 v61, v60  }
0x6b: {  	v27 =	vld [tilespmem:$0x820];
	v19 =	vadd.f32 v46, v45;
	v37 =	vadd.f32 v49, v37;
	v60 =	vmul.f32 v56, v2  }
0x6c: {  	v38 =	vld [tilespmem:$0x690];
	v46 =	vmul.f32 v33, v7;
	v49 =	vmul.f32 v28, v7;
	v20 =	vadd.f32 v63, v20  }
0x6d: {  	v45 =	vld [tilespmem:$0x790];
	v19 =	vadd.f32 v48, v19;
	v54 =	vadd.f32 v51, v37;
	v37 =	vmul.f32 v21, v0  }
0x6e: {  	v33 =	vld [tilespmem:$0x730];
	v51 =	vadd.f32 $0.0e+00, v46;
	v46 =	vmul.f32 v39, v0;
	v47 =	vmul.f32 v47, v7  }
0x6f: {  	v48 =	vld [tilespmem:$0x6A0];
	v55 =	vmul.f32 v55, v5;
	v30 =	vmul.f32 v30, v3  }
0x70: {  	v27 =	vmul.f32 v27, v3;
	v15 =	vadd.f32 v15, v20;
	v19 =	vadd.f32 v50, v19;
	v50 =	vld [tilespmem:$0x4B0]  }
0x71: {  	v20 =	vadd.f32 v53, v52;
	v26 =	vadd.f32 v57, v54;
	v52 =	vmul.f32 v23, v6;
	v53 =	vld [tilespmem:$0x530]  }
0x72: {  	v54 =	vmul.f32 v41, v6;
	v41 =	vmul.f32 v36, v2;
	v36 =	vld [tilespmem:$0x540]  }
0x73: {  	v57 =	vmul.f32 v29, v5;
	v13 =	vadd.f32 v12, v15;
	v63 =	vadd.f32 v60, v26;
	v26 =	vld [tilespmem:$0x7A0]  }
0x74: {  	v61 =	vadd.f32 v58, v20;
	v12 =	vadd.f32 v59, v19;
	v58 =	vld [tilespmem:$0x630];
	v60 =	vmul.f32 v43, v5  }
0x75: {  	v19 =	vadd.f32 $0.0e+00, v49;
	v20 =	vld [tilespmem:$0x830];
	v43 =	vmul.f32 v38, v2;
	v49 =	vmul.f32 v42, v0  }
0x76: {  	v56 =	vadd.f32 v52, v51;
	v38 =	vld [tilespmem:$0x5C0];
	v52 =	vmul.f32 v40, v1;
	v42 =	vmul.f32 v33, v0  }
0x77: {  	v40 =	vld [tilespmem:$0x740];
	v15 =	vadd.f32 v62, v61;
	v18 =	vadd.f32 v18, v63;
	v62 =	vmul.f32 v35, v4  }
0x78: {  	v59 =	vadd.f32 v54, v19;
	v61 =	vld [tilespmem:$0x6B0];
	v54 =	vmul.f32 v45, v1;
	v28 =	vmul.f32 v50, v7  }
0x79: {  	v35 =	vld [tilespmem:$0x7B0];
	v50 =	vadd.f32 $0.0e+00, v47;
	v23 =	vmul.f32 v53, v6;
	v15 =	vadd.f32 v37, v15  }
0x7a: {  	v53 =	vmul.f32 v44, v5;
	v16 =	vadd.f32 v16, v18;
	v18 =	vadd.f32 v57, v56;
	v37 =	vld [tilespmem:$0x7C0]  }
0x7b: {  	v19 =	vadd.f32 v60, v59;
	v56 =	vmul.f32 v32, v4;
	v32 =	vld [tilespmem:$0x840];
	v51 =	vadd.f32 $0.0e+00, v28  }
0x7c: {  	v57 =	vld [tilespmem:$0x4D0];
	v21 =	vmul.f32 v58, v4;
	v58 =	vmul.f32 v48, v2;
	v22 =	vadd.f32 v22, v15  }
0x7d: {  	v59 =	vld [tilespmem:$0x550];
	v44 =	vmul.f32 v26, v1;
	v15 =	vadd.f32 v14, v16;
	v63 =	vadd.f32 v62, v18  }
0x7e: {  	v28 =	vld [tilespmem:$0x6C0];
	v20 =	vmul.f32 v20, v3;
	v19 =	vadd.f32 v34, v19;
	v18 =	vadd.f32 v25, v50  }
0x7f: {  	v34 =	vld [tilespmem:$0x640];
	v60 =	vmul.f32 v61, v2;
	v14 =	vadd.f32 v31, v22;
	v16 =	vadd.f32 v41, v63  }
0x80: {  	v61 =	vld [tilespmem:$0x5D0];
	v47 =	vmul.f32 v35, v1;
	v19 =	vadd.f32 v43, v19;
	v22 =	vadd.f32 v23, v51  }
0x81: {  	v31 =	vld [tilespmem:$0x4C0];
	v18 =	vadd.f32 v53, v18;
	v63 =	vmul.f32 v24, v0;
	v53 =	vmul.f32 v38, v5  }
0x82: {  	v43 =	vld [tilespmem:$0x6D0];
	v23 =	vmul.f32 v57, v7;
	v16 =	vadd.f32 v46, v16;
	v19 =	vadd.f32 v49, v19  }
0x83: {  	v41 =	vld [tilespmem:$0x650];
	v51 =	vmul.f32 v59, v6;
	v22 =	vadd.f32 v55, v22;
	v18 =	vadd.f32 v56, v18  }
0x84: {  	v46 =	vld [tilespmem:$0x750];
	v49 =	vmul.f32 v36, v6;
	v50 =	vadd.f32 $0.0e+00, v23;
	v16 =	vadd.f32 v52, v16  }
0x85: {  	v56 =	vld [tilespmem:$0x560];
	v57 =	vmul.f32 v34, v4;
	v19 =	vadd.f32 v54, v19;
	v21 =	vadd.f32 v21, v22  }
0x86: {  	v62 =	vadd.f32 v58, v18;
	v52 =	vld [tilespmem:$0x4E0];
	v55 =	vmul.f32 v61, v5;
	v45 =	vmul.f32 v31, v7  }
0x87: {  	v54 =	vld [tilespmem:$0x4F0];
	v22 =	vadd.f32 v51, v50;
	v35 =	vmul.f32 v43, v2;
	v43 =	vmul.f32 v40, v0  }
0x88: {  	v58 =	vld [tilespmem:$0x570];
	v51 =	vmul.f32 v37, v1;
	v16 =	vadd.f32 v17, v16;
	v19 =	vadd.f32 v30, v19  }
0x89: {  	v61 =	vld [tilespmem:$0x5E0];
	v21 =	vadd.f32 v60, v21;
	v17 =	vadd.f32 v63, v62;
	v60 =	vmul.f32 v41, v4  }
0x8a: {  	v34 =	vld [tilespmem:$0x5F0];
	v62 =	vmul.f32 v28, v2;
	v48 =	vadd.f32 $0.0e+00, v45;
	v59 =	vadd.f32 v55, v22  }
0x8b: {  	v36 =	vld [tilespmem:$0x660];
	v39 =	vmul.f32 v56, v6;
	v45 =	vmul.f32 v46, v0;
	v21 =	vadd.f32 v42, v21  }
0x8c: {  	v31 =	vld [tilespmem:$0x7D0];
	v17 =	vadd.f32 v44, v17;
	v18 =	vadd.f32 v49, v48;
	v63 =	vmul.f32 v52, v7  }
0x8d: {  	v41 =	vld [tilespmem:$0x670];
	v7 =	vmul.f32 v54, v7;
	v6 =	vmul.f32 v58, v6;
	v21 =	vadd.f32 v47, v21  }
0x8e: {  	v46 =	vld [tilespmem:$0x760];
	v23 =	vmul.f32 v61, v5;
	v17 =	vadd.f32 v27, v17;
	v38 =	vadd.f32 $0.0e+00, v63  }
0x8f: {  	v42 =	vld [tilespmem:$0x6E0];
	v5 =	vmul.f32 v34, v5;
	v18 =	vadd.f32 v53, v18;
	v7 =	vadd.f32 $0.0e+00, v7  }
0x90: {  	[tilespmem:$0x880] =	vst v8;
	v44 =	vld [tilespmem:$0x6F0];
	v48 =	vmul.f32 v36, v4;
	v20 =	vadd.f32 v20, v21;
	v24 =	vadd.f32 v39, v38  }
0x91: {  	[tilespmem:$0x890] =	vst v9;
	v33 =	vld [tilespmem:$0x850];
	v54 =	vmul.f32 v31, v1;
	v21 =	vadd.f32 v60, v59;
	v6 =	vadd.f32 v6, v7  }
0x92: {  	[tilespmem:$0x8A0] =	vst v11;
	v49 =	vld [tilespmem:$0x770];
	v4 =	vmul.f32 v41, v4;
	v18 =	vadd.f32 v57, v18;
	v47 =	vadd.f32 v23, v24  }
0x93: {  	[tilespmem:$0x8B0] =	vst v10;
	v50 =	vld [tilespmem:$0x7E0];
	v9 =	vmul.f32 v46, v0;
	v59 =	vmul.f32 v32, v3;
	v5 =	vadd.f32 v5, v6  }
0x94: {  	[tilespmem:$0x8C0] =	vst v13;
	v53 =	vld [tilespmem:$0x7F0];
	v52 =	vmul.f32 v42, v2;
	v18 =	vadd.f32 v62, v18;
	v11 =	vadd.f32 v48, v47  }
0x95: {  	[tilespmem:$0x8D0] =	vst v12;
	v55 =	vld [tilespmem:$0x860];
	v2 =	vmul.f32 v44, v2;
	v21 =	vadd.f32 v35, v21;
	v4 =	vadd.f32 v4, v5  }
0x96: {  	[tilespmem:$0x8E0] =	vst v15;
	v60 =	vmul.f32 v33, v3;
	v57 =	vld [tilespmem:$0x870];
	v8 =	vadd.f32 v43, v18;
	v56 =	vadd.f32 v52, v11  }
0x97: {  	[tilespmem:$0x8F0] =	vst v14;
	v0 =	vmul.f32 v49, v0;
	v7 =	vadd.f32 v45, v21;
	v2 =	vadd.f32 v2, v4  }
0x98: {  	[tilespmem:$0x900] =	vst v16;
	v6 =	vmul.f32 v50, v1;
	v8 =	vadd.f32 v51, v8;
	v58 =	vadd.f32 v9, v56  }
0x99: {  	[tilespmem:$0x910] =	vst v19;
	v1 =	vmul.f32 v53, v1;
	v5 =	vadd.f32 v54, v7;
	v0 =	vadd.f32 v0, v2  }
0x9a: {  	[tilespmem:$0x920] =	vst v17;
	v61 =	vmul.f32 v55, v3;
	v7 =	vadd.f32 v59, v8;
	v4 =	vadd.f32 v6, v58  }
0x9b: {  	[tilespmem:$0x930] =	vst v20;
	v62 =	vmul.f32 v57, v3;
	v2 =	vadd.f32 v60, v5;
	v0 =	vadd.f32 v1, v0  }
0x9c: {  	[tilespmem:$0x940] =	vst v7;
	v63 =	vadd.f32 v61, v4  }
0x9d: {  	[tilespmem:$0x950] =	vst v2;
	v0 =	vadd.f32 v62, v0  }
0x9e: {  	p0 =	sne.s32 s6, $0x1;
	[tilespmem:$0x960] =	vst v63  }
.Ltmp0:
0x9f: {  	[tilespmem:$0x970] =	vst v0;
	(pc) =	sbr.rel @p0 .LBB2_1-.Ltmp0, $4  }
0xa0: {  	[hbm4b:s5+s8] =	stream.strided.scatter [tilespmem:s10], [sflag:$0x1], $0x100, s9, s8, $0x38;
	[tilespmem:$0x980] =	vst v63  }
0xa1: {  	_ =	swait.ge [sflag:s7], $0x100  }
0xa2: {  	[sflag:s7] =	ssyncset.done $0x0  }
0xa3: {  	s6 =	sadd.s32 $0xFFFFFFFF, s6;
	[sflag:s7] =	ssyncadd.s32 $0xFFFFFF00  }
0xa4: {  	_ =	sfence.sel $0x180000  }
0xa5: {  	[bflag:$0x0] =	sbarrier.arrive $0xFFFF  }
0xa6: {  	p0 =	sne.s32 s1, $0x0;
	_ =	strace $0x90000047  }
0xa7: {  	s0 =	sadd.s32 @!p0 $0x100000, s0;
	[bflag:$0x2] =	sbarrier.arrive $0xFFFF  }
0xa8: {  	[sflag:s0] =	ssyncadd.tile.s32 @!p0 $0x1;
	_ =	shalt  }
.Lfunc_end2:
_tile_overlayer_lowered:
.L_overlay_start_2:
0xa9: {  	(tag) =	ssettag $0x2  }
0xaa: {  	s0 =	rddreg [dreg:$0x0];
	s2 =	stileid.u32  }
0xab: {  	s1 =	rddreg [dreg:$0x1];
	p0 =	sne.s32 s2, $0x0  }
0xac: {  	s3 =	rddreg [dreg:$0x2];
	[bflag:$0x3] =	sbarrier.arrive $0xFFFF;
	s2 =	simm.s32 @!p0 $0x1C01  }
0xad: {  	[timem:s3], [sflag:s2] =	dma.local @!p0 [hbm:s0], s1  }
0xae: {  	s0 =	simm.s32 @!p0 $0x1  }
0xaf: {  	_ =	swait.ge @!p0 [sflag:s0], s1  }
0xb0: {  	s1 =	ssub.s32 @!p0 $0x0, s1;
	[sflag:s0] =	ssyncset.done @!p0 $0x0  }
0xb1: {  	[sflag:s0] =	ssyncadd.s32 @!p0 s1  }
0xb2: {  	[bflag:$0x3] =	sbarrier.arrive $0xFFFF  }
0xb3: {  	_ =	shalt  }

</sc_bundles>
